<compile_context>
chip_gen: v7x
topology: tpu7x:2x2x1
jax: 0.10.2.dev20260603
libtpu: 0.0.44.dev20260713+nightly
codegen_flags: <defaults>
</compile_context>

<pallas_src>
import functools

import jax
import jax.numpy as jnp
from jax import lax
from jax.experimental import pallas as pl
from jax.experimental.pallas import tpu as pltpu
from jax.experimental.pallas import tpu_sc as plsc

_LANES = 16



def _sc_histograms(ei, et, n_nodes):
    B, _, E = ei.shape
    info = plsc.get_sparse_core_info()
    nc, ns = 1, info.num_subcores
    nw = nc * ns
    wpb = nw // B
    ch = E // wpb
    iters = ch // _LANES
    N = n_nodes

    nrep = 8

    def body(ei_hbm, et_hbm, out_hbm, src_v, dst_v, et_v, deg_h, h_h,
             res_v, sem):
        wid = lax.axis_index("s") * nc + lax.axis_index("c")
        b = wid // wpb
        j = wid % wpb
        base = j * ch
        cp1 = pltpu.async_copy(ei_hbm.at[b, 0, pl.ds(base, ch)], src_v, sem)
        cp2 = pltpu.async_copy(ei_hbm.at[b, 1, pl.ds(base, ch)], dst_v, sem)
        cp3 = pltpu.async_copy(et_hbm.at[b, pl.ds(base, ch)], et_v, sem)

        zv = jnp.zeros((_LANES,), jnp.int32)

        def zero_step(k, carry):
            off = k * 4 * _LANES
            for u in range(4):
                deg_h[pl.ds(off + u * _LANES, _LANES)] = zv
                h_h[pl.ds(off + u * _LANES, _LANES)] = zv
            return carry

        lax.fori_loop(0, nrep * N // (4 * _LANES), zero_step, 0)
        cp1.wait()
        cp2.wait()
        cp3.wait()

        lanes = lax.iota(jnp.int32, _LANES)
        rep_off = (lanes & (nrep - 1)) * N
        lo = lanes < nrep
        hi = jnp.logical_not(lo)

        def edge_step(i, carry):
            off = i * _LANES
            s16 = src_v[pl.ds(off, _LANES)]
            d16 = dst_v[pl.ds(off, _LANES)]
            t16 = et_v[pl.ds(off, _LANES)]
            val = 1 + t16 * 65535
            di = rep_off + d16
            si = rep_off + s16
            z = d16 == 0
            plsc.addupdate_scatter(deg_h, [di], val, mask=lo)
            plsc.addupdate_scatter(deg_h, [di], val, mask=hi)
            plsc.addupdate_scatter(h_h, [si], val, mask=jnp.logical_and(z, lo))
            plsc.addupdate_scatter(h_h, [si], val, mask=jnp.logical_and(z, hi))
            return carry

        lax.fori_loop(0, iters, edge_step, 0)

        def reduce_step(k, carry):
            off = k * _LANES
            a = deg_h[pl.ds(off, _LANES)]
            c = h_h[pl.ds(off, _LANES)]
            for rep in range(1, nrep):
                a = a + deg_h[pl.ds(rep * N + off, _LANES)]
                c = c + h_h[pl.ds(rep * N + off, _LANES)]
            res_v[0, pl.ds(off, _LANES)] = a
            res_v[1, pl.ds(off, _LANES)] = c
            return carry

        lax.fori_loop(0, N // _LANES, reduce_step, 0)
        pltpu.sync_copy(res_v, out_hbm.at[b, j])

    run = pl.kernel(
        body,
        out_type=jax.ShapeDtypeStruct((B, wpb, 2, N), jnp.int32),
        mesh=plsc.VectorSubcoreMesh(core_axis_name="c", subcore_axis_name="s",
                                    num_cores=nc),
        compiler_params=pltpu.CompilerParams(needs_layout_passes=False),
        scratch_types=[
            pltpu.VMEM((ch,), jnp.int32),
            pltpu.VMEM((ch,), jnp.int32),
            pltpu.VMEM((ch,), jnp.int32),
            pltpu.VMEM((8 * N,), jnp.int32),
            pltpu.VMEM((8 * N,), jnp.int32),
            pltpu.VMEM((2, N), jnp.int32),
            pltpu.SemaphoreType.DMA,
        ],
        cost_estimate=pl.CostEstimate(
            flops=4 * E * B, bytes_accessed=64 * 1024 * 1024,
            transcendentals=0),
    )
    return run(ei, et)



def _ng_body(xf_ref, w_ref, out_ref):
    k = pl.program_id(0)

    @pl.when(k == 0)
    def _init():
        out_ref[...] = jnp.zeros_like(out_ref)

    out_ref[...] += jnp.dot(xf_ref[...], w_ref[...],
                            preferred_element_type=jnp.float32)


def _gate_matvec(xf, wg, k_chunk=32768):
    B, K = xf.shape
    D = wg.shape[1]
    nk = K // k_chunk
    return pl.pallas_call(
        _ng_body,
        grid=(nk,),
        in_specs=[
            pl.BlockSpec((B, k_chunk), lambda k: (0, k)),
            pl.BlockSpec((k_chunk, D), lambda k: (k, 0)),
        ],
        out_specs=pl.BlockSpec((B, D), lambda k: (0, 0)),
        out_shape=jax.ShapeDtypeStruct((B, D), jnp.float32),
        compiler_params=pltpu.CompilerParams(
            dimension_semantics=("arbitrary",),
            vmem_limit_bytes=100 * 1024 * 1024),
    )(xf, wg)



def _state_compute(R, cnt_ref, x_ref, ng_ref, wrel_ref, w0_ref, u_ref):
    B, wpb = cnt_ref.shape[0], cnt_ref.shape[1]
    D = x_ref.shape[2]
    m = jnp.zeros((1, D), jnp.float32)
    rows = []
    for b in range(B):
        acc = cnt_ref[b, 0]
        for j in range(1, wpb):
            acc = acc + cnt_ref[b, j]
        xb = x_ref[b]
        x0 = xb[0:1, :]
        p = jnp.dot(x0, w0_ref[...], preferred_element_type=jnp.float32)
        for r in range(R):
            dcnt = lax.shift_right_logical(acc[0:1, :], 16 * r) & 0xFFFF
            hcnt = lax.shift_right_logical(acc[1:2, :], 16 * r) & 0xFFFF
            deg = dcnt.astype(jnp.float32) + 1.0
            h = hcnt.astype(jnp.float32)
            d00 = deg[0:1, 0:1]
            cvec = h * lax.rsqrt(deg * d00)
            pre = jnp.dot(cvec, xb, preferred_element_type=jnp.float32)
            pre = pre + x0 / d00
            p = p + jnp.dot(pre, wrel_ref[r],
                            preferred_element_type=jnp.float32)
        gate = jax.nn.sigmoid(
            ng_ref[b:b + 1, :]
            + jnp.dot(m, u_ref[...], preferred_element_type=jnp.float32))
        m = gate * p + (1.0 - gate) * m
        rows.append(jnp.maximum(m, 0.0))
    return jnp.concatenate(rows, axis=0)



def _tail_body(G, cg, R, cnt_ref, x_ref, ng_ref, wrel_ref, w0_ref, u_ref,
               ws_ref, bs_ref, wg_ref, bg_ref, outg_ref, outs_ref,
               x1_v, logits_v, rmax_v, rsum_v):
    p = pl.program_id(0)
    c = pl.program_id(1)
    B = x_ref.shape[0]

    @pl.when(jnp.logical_and(p == 0, c == 0))
    def _state_and_senses():
        x1 = _state_compute(R, cnt_ref, x_ref, ng_ref, wrel_ref, w0_ref,
                            u_ref)
        x1_v[...] = x1
        l = lax.dot_general(x1, ws_ref[...], (((1,), (1,)), ((), ())),
                            preferred_element_type=jnp.float32)
        l = l + bs_ref[...]
        mx = jnp.max(l, axis=1, keepdims=True)
        lse = mx + jnp.log(jnp.sum(jnp.exp(l - mx), axis=1, keepdims=True))
        outs_ref[...] = l - lse

    @pl.when(p == 0)
    def _chunk():
        l = lax.dot_general(x1_v[...], wg_ref[...],
                            (((1,), (1,)), ((), ())),
                            preferred_element_type=jnp.float32)
        l = l + bg_ref[...]
        col = c * cg + lax.broadcasted_iota(jnp.int32, (B, cg), 1)
        l = jnp.where(col < G, l, -jnp.inf)
        logits_v[:, pl.ds(c * cg, cg)] = l
        mx = jnp.max(l, axis=1, keepdims=True)

        @pl.when(c == 0)
        def _first():
            rmax_v[...] = mx
            rsum_v[...] = jnp.sum(jnp.exp(l - mx), axis=1, keepdims=True)

        @pl.when(c > 0)
        def _rest():
            om = rmax_v[...]
            nm = jnp.maximum(om, mx)
            rsum_v[...] = (rsum_v[...] * jnp.exp(om - nm)
                           + jnp.sum(jnp.exp(l - nm), axis=1, keepdims=True))
            rmax_v[...] = nm

    @pl.when(p == 1)
    def _normalize():
        lse = rmax_v[...] + jnp.log(rsum_v[...])
        outg_ref[...] = logits_v[:, pl.ds(c * cg, cg)] - lse


def _tail(counts, x, ng, w_rel, w_0, u, lin_g_W, bias_g2d, lin_s_W, bias_s2d,
          cg=8192):
    B, _, D = x.shape
    R = w_rel.shape[0]
    G = lin_g_W.shape[0]
    S = lin_s_W.shape[0]
    nch = (G + cg - 1) // cg
    return pl.pallas_call(
        functools.partial(_tail_body, G, cg, R),
        grid=(2, nch),
        in_specs=[
            pl.BlockSpec(counts.shape, lambda p, c: (0, 0, 0, 0)),
            pl.BlockSpec(x.shape, lambda p, c: (0, 0, 0)),
            pl.BlockSpec((B, D), lambda p, c: (0, 0)),
            pl.BlockSpec(w_rel.shape, lambda p, c: (0, 0, 0)),
            pl.BlockSpec((D, D), lambda p, c: (0, 0)),
            pl.BlockSpec((D, D), lambda p, c: (0, 0)),
            pl.BlockSpec((S, D), lambda p, c: (0, 0)),
            pl.BlockSpec((1, S), lambda p, c: (0, 0)),
            pl.BlockSpec((cg, D), lambda p, c: (c * (1 - p), 0)),
            pl.BlockSpec((1, cg), lambda p, c: (0, c * (1 - p))),
        ],
        out_specs=[
            pl.BlockSpec((B, cg), lambda p, c: (0, c)),
            pl.BlockSpec((B, S), lambda p, c: (0, 0)),
        ],
        out_shape=[
            jax.ShapeDtypeStruct((B, G), jnp.float32),
            jax.ShapeDtypeStruct((B, S), jnp.float32),
        ],
        scratch_shapes=[
            pltpu.VMEM((B, D), jnp.float32),
            pltpu.VMEM((B, nch * cg), jnp.float32),
            pltpu.VMEM((B, 1), jnp.float32),
            pltpu.VMEM((B, 1), jnp.float32),
        ],
    )(counts, x, ng, w_rel, w_0, u, lin_s_W, bias_s2d, lin_g_W, bias_g2d)



def kernel(x, edge_index, edge_type, W_rel, W_0, update_gate_W,
           update_gate_U, lin_g_W, lin_g_b, lin_s_W, lin_s_b):
    B, N, D = x.shape
    G = lin_g_W.shape[0]
    S = lin_s_W.shape[0]
    ei = edge_index.astype(jnp.int32)
    et = edge_type.astype(jnp.int32)

    counts = _sc_histograms(ei, et, N)
    ng = _gate_matvec(x.reshape(B, N * D), update_gate_W)
    preds_g, preds_s = _tail(counts, x, ng, W_rel, W_0, update_gate_U,
                             lin_g_W, lin_g_b.reshape(1, G),
                             lin_s_W, lin_s_b.reshape(1, S))
    return preds_g, preds_s

# --- scband reference (transcript-rebuilt; emitter-appended) ---
"""Pipeline reference for scband-gru-rgcn-76003741270422 (READ-ONLY COPY).

The authoritative reference and input builder live on the scoring server;
editing this copy changes nothing except your own understanding.
"""

import jax, jax.numpy as jnp
import numpy as np

N = 2048
D = 128
E = 32768
R = 2
B = 4
N_SENSES = 2000
N_GLOBALS = 50000


def setup_inputs(seed: int = 0) -> dict:
    key = jax.random.key(seed)
    ks = jax.random.split(key, 12)
    x = jax.random.normal(ks[0], (B, N, D), dtype=jnp.float32)
    edge_index = jax.random.randint(ks[1], (B, 2, E), 0, N, dtype=jnp.int64)
    edge_type = jnp.sort(jax.random.randint(ks[2], (B, E), 0, R, dtype=jnp.int64), axis=-1)
    def xav(k, shape):
        fan_in, fan_out = shape[-2], shape[-1]
        std = np.sqrt(2.0 / (fan_in + fan_out))
        return (jax.random.normal(k, shape, dtype=jnp.float32) * std).astype(jnp.float32)
    W_rel = xav(ks[3], (R, D, D))
    W_0 = xav(ks[4], (D, D))
    update_gate_W = xav(ks[5], (N * D, D))
    update_gate_U = xav(ks[6], (D, D))
    lin_g_W = xav(ks[7], (D, N_GLOBALS)).T
    lin_g_b = jnp.zeros((N_GLOBALS,), dtype=jnp.float32)
    lin_s_W = xav(ks[8], (D, N_SENSES)).T
    lin_s_b = jnp.zeros((N_SENSES,), dtype=jnp.float32)
    return {"x": x, "edge_index": edge_index, "edge_type": edge_type,
            "W_rel": W_rel, "W_0": W_0,
            "update_gate_W": update_gate_W, "update_gate_U": update_gate_U,
            "lin_g_W": lin_g_W, "lin_g_b": lin_g_b,
            "lin_s_W": lin_s_W, "lin_s_b": lin_s_b}


def _gcn_conv(x, src, dst, mask, W):
    # torch_geometric GCNConv(bias=False): sym-normalized aggregation with self-loops,
    # restricted to this relation's edges via mask.
    h = x @ W
    deg = jnp.zeros((N,), dtype=x.dtype).at[dst].add(mask) + 1.0  # +1 for self-loop
    norm = mask / jnp.sqrt(deg[src] * deg[dst])
    out = jnp.zeros_like(h).at[dst].add(h[src] * norm[:, None])
    out = out + h / deg[:, None]  # self-loop contribution, norm = 1/deg
    return out


def _forward(x, edge_index, edge_type, W_rel, W_0, update_gate_W, update_gate_U,
             lin_g_W, lin_g_b, lin_s_W, lin_s_b):
    memory = jnp.zeros((N, D), dtype=jnp.float32)
    preds_g = []
    preds_s = []
    for b in range(B):
        xb = x[b]
        src = edge_index[b, 0]
        dst = edge_index[b, 1]
        et = edge_type[b]
        rels = [_gcn_conv(xb, src, dst, (et == r).astype(jnp.float32), W_rel[r])
                for r in range(R)]
        prevlayer = xb @ W_0  # eye(N) @ (x W_0) == x W_0
        proposed = sum(rels) + prevlayer
        ng = xb.reshape(1, -1) @ update_gate_W
        ps = memory[0:1, :] @ update_gate_U
        gate = jax.nn.sigmoid(ng + ps)
        rgcn = gate * proposed + (1.0 - gate) * memory
        memory = rgcn
        x_next = jax.nn.relu(rgcn)
        x1 = x_next[0]
        logits_g = x1 @ lin_g_W.T + lin_g_b
        logits_s = x1 @ lin_s_W.T + lin_s_b
        preds_g.append(jax.nn.log_softmax(logits_g, axis=0))
        preds_s.append(jax.nn.log_softmax(logits_s, axis=0))
    return jnp.stack(preds_g, axis=0), jnp.stack(preds_s, axis=0)


def reference(x, edge_index, edge_type, W_rel, W_0, update_gate_W, update_gate_U,
              lin_g_W, lin_g_b, lin_s_W, lin_s_b):
    return _forward(x, edge_index, edge_type, W_rel, W_0, update_gate_W,
                    update_gate_U, lin_g_W, lin_g_b, lin_s_W, lin_s_b)

if __name__ == "__main__":
    import jax
    _d = setup_inputs()
    print(jax.jit(kernel)(*tuple(_d.values())))

</pallas_src>

<mosaic_0001>
#map = affine_map<(d0, d1) -> (0, 0, 0)>
#map1 = affine_map<(d0, d1) -> (0, 0)>
#map2 = affine_map<(d0, d1) -> (0, 0, 0, 0)>
module attributes {stable_mosaic.version = 14 : i64} {
  func.func @body(%arg0: i32, %arg1: i32, %arg2: memref<4x2x32768xi32, #tpu.memory_space<hbm>>, %arg3: memref<4x32768xi32, #tpu.memory_space<hbm>>, %arg4: memref<4x4x2x2048xi32, #tpu.memory_space<hbm>>, %arg5: memref<8192xi32, #tpu.memory_space<vmem>>, %arg6: memref<8192xi32, #tpu.memory_space<vmem>>, %arg7: memref<8192xi32, #tpu.memory_space<vmem>>, %arg8: memref<16384xi32, #tpu.memory_space<vmem>>, %arg9: memref<16384xi32, #tpu.memory_space<vmem>>, %arg10: memref<2x2048xi32, #tpu.memory_space<vmem>>, %arg11: memref<!tpu.dma_semaphore, #tpu.memory_space<semaphore_mem>>) attributes {dimension_semantics = [#tpu.dimension_semantics<core_parallel>, #tpu.dimension_semantics<subcore_parallel>], iteration_bounds = array<i64: 1, 16>, scalar_prefetch = 0 : i64, scratch_operands = 7 : i64, tpu.core_type = #tpu.core_type<sc_vector_subcore>, window_params = [{transform_indices = #map}, {transform_indices = #map1}, {transform_indices = #map2}]} {
    %mul3A = arith.constant 1 : i32
    %mul3A_0 = arith.muli %arg1, %mul3A : i32
    %add3A = arith.addi %mul3A_0, %arg0 : i32
    %jit3A = arith.constant 4 : i32
    %div3A = arith.divsi %add3A, %jit3A : i32
    %sign3A = arith.constant 0 : i32
    %sign3A_1 = arith.cmpi sgt, %add3A, %sign3A : i32
    %sign3A_2 = arith.extui %sign3A_1 : i1 to i32
    %sign3A_3 = arith.constant 0 : i32
    %sign3A_4 = arith.cmpi slt, %add3A, %sign3A_3 : i32
    %sign3A_5 = arith.extui %sign3A_4 : i1 to i32
    %sign3A_6 = arith.subi %sign3A_2, %sign3A_5 : i32
    %sign3A_7 = arith.constant 0 : i32
    %sign3A_8 = arith.cmpi sgt, %jit3A, %sign3A_7 : i32
    %sign3A_9 = arith.extui %sign3A_8 : i1 to i32
    %sign3A_10 = arith.constant 0 : i32
    %sign3A_11 = arith.cmpi slt, %jit3A, %sign3A_10 : i32
    %sign3A_12 = arith.extui %sign3A_11 : i1 to i32
    %sign3A_13 = arith.subi %sign3A_9, %sign3A_12 : i32
    %ne3A = arith.cmpi ne, %sign3A_6, %sign3A_13 : i32
    %rem3A = arith.remsi %add3A, %jit3A : i32
    %ne3A_14 = arith.constant 0 : i32
    %ne3A_15 = arith.cmpi ne, %rem3A, %ne3A_14 : i32
    %and3A = arith.andi %ne3A, %ne3A_15 : i1
    %sub3A = arith.constant 1 : i32
    %sub3A_16 = arith.subi %div3A, %sub3A : i32
    %select_n3A = arith.select %and3A, %sub3A_16, %div3A : i32
    %jit3A_17 = arith.constant 4 : i32
    %eq3A = arith.constant 0 : i32
    %eq3A_18 = arith.cmpi eq, %jit3A_17, %eq3A : i32
    %jit3A_19 = arith.constant 1 : i32
    %select_n3A_20 = arith.select %eq3A_18, %jit3A_19, %jit3A_17 : i32
    %rem3A_21 = arith.remsi %add3A, %select_n3A_20 : i32
    %ne3A_22 = arith.constant 0 : i32
    %ne3A_23 = arith.cmpi ne, %rem3A_21, %ne3A_22 : i32
    %lt3A = arith.constant 0 : i32
    %lt3A_24 = arith.cmpi slt, %rem3A_21, %lt3A : i32
    %lt3A_25 = arith.constant 0 : i32
    %lt3A_26 = arith.cmpi slt, %select_n3A_20, %lt3A_25 : i32
    %ne3A_27 = arith.xori %lt3A_24, %lt3A_26 : i1
    %and3A_28 = arith.andi %ne3A_27, %ne3A_23 : i1
    %add3A_29 = arith.addi %rem3A_21, %select_n3A_20 : i32
    %select_n3A_30 = arith.select %and3A_28, %add3A_29, %rem3A_21 : i32
    %mul3A_31 = arith.constant 8192 : i32
    %mul3A_32 = arith.muli %select_n3A_30, %mul3A_31 : i32
    %dma_start3A = arith.constant 0 : i32
    %dma_start3A_33 = tpu.memref_slice %arg2[%select_n3A, %dma_start3A, %mul3A_32] : memref<4x2x32768xi32, #tpu.memory_space<hbm>> -> memref<1x1x8192xi32, #tpu.memory_space<hbm>>
    %dma_start3A_34 = tpu.memref_squeeze %dma_start3A_33 : memref<1x1x8192xi32, #tpu.memory_space<hbm>> -> memref<8192xi32, #tpu.memory_space<hbm>>
    %dma_start3A_35 = tpu.memref_slice %arg2[%select_n3A, %dma_start3A, %mul3A_32] : memref<4x2x32768xi32, #tpu.memory_space<hbm>> -> memref<1x1x8192xi32, #tpu.memory_space<hbm>>
    %dma_start3A_36 = tpu.memref_squeeze %dma_start3A_35 : memref<1x1x8192xi32, #tpu.memory_space<hbm>> -> memref<8192xi32, #tpu.memory_space<hbm>>
    tpu.enqueue_dma source(%dma_start3A_36 : memref<8192xi32, #tpu.memory_space<hbm>>) target(%arg5 : memref<8192xi32, #tpu.memory_space<vmem>>) target_semaphore(%arg11 : memref<!tpu.dma_semaphore, #tpu.memory_space<semaphore_mem>>)
    %dma_start3A_37 = arith.constant 1 : i32
    %dma_start3A_38 = tpu.memref_slice %arg2[%select_n3A, %dma_start3A_37, %mul3A_32] : memref<4x2x32768xi32, #tpu.memory_space<hbm>> -> memref<1x1x8192xi32, #tpu.memory_space<hbm>>
    %dma_start3A_39 = tpu.memref_squeeze %dma_start3A_38 : memref<1x1x8192xi32, #tpu.memory_space<hbm>> -> memref<8192xi32, #tpu.memory_space<hbm>>
    %dma_start3A_40 = tpu.memref_slice %arg2[%select_n3A, %dma_start3A_37, %mul3A_32] : memref<4x2x32768xi32, #tpu.memory_space<hbm>> -> memref<1x1x8192xi32, #tpu.memory_space<hbm>>
    %dma_start3A_41 = tpu.memref_squeeze %dma_start3A_40 : memref<1x1x8192xi32, #tpu.memory_space<hbm>> -> memref<8192xi32, #tpu.memory_space<hbm>>
    tpu.enqueue_dma source(%dma_start3A_41 : memref<8192xi32, #tpu.memory_space<hbm>>) target(%arg6 : memref<8192xi32, #tpu.memory_space<vmem>>) target_semaphore(%arg11 : memref<!tpu.dma_semaphore, #tpu.memory_space<semaphore_mem>>)
    %dma_start3A_42 = tpu.memref_slice %arg3[%select_n3A, %mul3A_32] : memref<4x32768xi32, #tpu.memory_space<hbm>> -> memref<1x8192xi32, #tpu.memory_space<hbm>>
    %dma_start3A_43 = tpu.memref_squeeze %dma_start3A_42 : memref<1x8192xi32, #tpu.memory_space<hbm>> -> memref<8192xi32, #tpu.memory_space<hbm>>
    %dma_start3A_44 = tpu.memref_slice %arg3[%select_n3A, %mul3A_32] : memref<4x32768xi32, #tpu.memory_space<hbm>> -> memref<1x8192xi32, #tpu.memory_space<hbm>>
    %dma_start3A_45 = tpu.memref_squeeze %dma_start3A_44 : memref<1x8192xi32, #tpu.memory_space<hbm>> -> memref<8192xi32, #tpu.memory_space<hbm>>
    tpu.enqueue_dma source(%dma_start3A_45 : memref<8192xi32, #tpu.memory_space<hbm>>) target(%arg7 : memref<8192xi32, #tpu.memory_space<vmem>>) target_semaphore(%arg11 : memref<!tpu.dma_semaphore, #tpu.memory_space<semaphore_mem>>)
    %broadcast_in_dim3A = arith.constant 0 : i32
    %broadcast_in_dim3A_46 = vector.broadcast %broadcast_in_dim3A : i32 to vector<16xi32>
    %scan3A = arith.constant 0 : i32
    %scan3A_47 = arith.constant 0 : i32
    %scan3A_48 = arith.constant 256 : i32
    %scan3A_49 = arith.addi %scan3A_47, %scan3A_48 : i32
    %scan3A_50 = arith.constant 1 : i32
    scf.for %scan3A_87 = %scan3A_47 to %scan3A_49 step %scan3A_50  : i32 {
      %mul3A_88 = arith.constant 4 : i32
      %mul3A_89 = arith.muli %scan3A_87, %mul3A_88 : i32
      %mul3A_90 = arith.constant 16 : i32
      %mul3A_91 = arith.muli %mul3A_89, %mul3A_90 : i32
      %add3A_92 = arith.constant 0 : i32
      %add3A_93 = arith.addi %mul3A_91, %add3A_92 : i32
      %swap3A = arith.index_cast %add3A_93 : i32 to index
      %swap3A_94 = tpu.vector_load %arg8[%swap3A] {strides = array<i32>} : memref<16384xi32, #tpu.memory_space<vmem>>, vector<16xi32>,
      tpu.vector_store %arg8[%swap3A], %broadcast_in_dim3A_46 {strides = array<i32>} : memref<16384xi32, #tpu.memory_space<vmem>>, vector<16xi32>,
      %add3A_95 = arith.constant 0 : i32
      %add3A_96 = arith.addi %mul3A_91, %add3A_95 : i32
      %swap3A_97 = arith.index_cast %add3A_96 : i32 to index
      %swap3A_98 = tpu.vector_load %arg9[%swap3A_97] {strides = array<i32>} : memref<16384xi32, #tpu.memory_space<vmem>>, vector<16xi32>,
      tpu.vector_store %arg9[%swap3A_97], %broadcast_in_dim3A_46 {strides = array<i32>} : memref<16384xi32, #tpu.memory_space<vmem>>, vector<16xi32>,
      %add3A_99 = arith.constant 16 : i32
      %add3A_100 = arith.addi %mul3A_91, %add3A_99 : i32
      %swap3A_101 = arith.index_cast %add3A_100 : i32 to index
      %swap3A_102 = tpu.vector_load %arg8[%swap3A_101] {strides = array<i32>} : memref<16384xi32, #tpu.memory_space<vmem>>, vector<16xi32>,
      tpu.vector_store %arg8[%swap3A_101], %broadcast_in_dim3A_46 {strides = array<i32>} : memref<16384xi32, #tpu.memory_space<vmem>>, vector<16xi32>,
      %add3A_103 = arith.constant 16 : i32
      %add3A_104 = arith.addi %mul3A_91, %add3A_103 : i32
      %swap3A_105 = arith.index_cast %add3A_104 : i32 to index
      %swap3A_106 = tpu.vector_load %arg9[%swap3A_105] {strides = array<i32>} : memref<16384xi32, #tpu.memory_space<vmem>>, vector<16xi32>,
      tpu.vector_store %arg9[%swap3A_105], %broadcast_in_dim3A_46 {strides = array<i32>} : memref<16384xi32, #tpu.memory_space<vmem>>, vector<16xi32>,
      %add3A_107 = arith.constant 32 : i32
      %add3A_108 = arith.addi %mul3A_91, %add3A_107 : i32
      %swap3A_109 = arith.index_cast %add3A_108 : i32 to index
      %swap3A_110 = tpu.vector_load %arg8[%swap3A_109] {strides = array<i32>} : memref<16384xi32, #tpu.memory_space<vmem>>, vector<16xi32>,
      tpu.vector_store %arg8[%swap3A_109], %broadcast_in_dim3A_46 {strides = array<i32>} : memref<16384xi32, #tpu.memory_space<vmem>>, vector<16xi32>,
      %add3A_111 = arith.constant 32 : i32
      %add3A_112 = arith.addi %mul3A_91, %add3A_111 : i32
      %swap3A_113 = arith.index_cast %add3A_112 : i32 to index
      %swap3A_114 = tpu.vector_load %arg9[%swap3A_113] {strides = array<i32>} : memref<16384xi32, #tpu.memory_space<vmem>>, vector<16xi32>,
      tpu.vector_store %arg9[%swap3A_113], %broadcast_in_dim3A_46 {strides = array<i32>} : memref<16384xi32, #tpu.memory_space<vmem>>, vector<16xi32>,
      %add3A_115 = arith.constant 48 : i32
      %add3A_116 = arith.addi %mul3A_91, %add3A_115 : i32
      %swap3A_117 = arith.index_cast %add3A_116 : i32 to index
      %swap3A_118 = tpu.vector_load %arg8[%swap3A_117] {strides = array<i32>} : memref<16384xi32, #tpu.memory_space<vmem>>, vector<16xi32>,
      tpu.vector_store %arg8[%swap3A_117], %broadcast_in_dim3A_46 {strides = array<i32>} : memref<16384xi32, #tpu.memory_space<vmem>>, vector<16xi32>,
      %add3A_119 = arith.constant 48 : i32
      %add3A_120 = arith.addi %mul3A_91, %add3A_119 : i32
      %swap3A_121 = arith.index_cast %add3A_120 : i32 to index
      %swap3A_122 = tpu.vector_load %arg9[%swap3A_121] {strides = array<i32>} : memref<16384xi32, #tpu.memory_space<vmem>>, vector<16xi32>,
      tpu.vector_store %arg9[%swap3A_121], %broadcast_in_dim3A_46 {strides = array<i32>} : memref<16384xi32, #tpu.memory_space<vmem>>, vector<16xi32>,
    }
    %scan3A_51 = arith.constant 256 : i32
    %dma_wait3A = arith.constant 0 : i32
    %dma_wait3A_52 = tpu.memref_slice %arg2[%select_n3A, %dma_wait3A, %mul3A_32] : memref<4x2x32768xi32, #tpu.memory_space<hbm>> -> memref<1x1x8192xi32, #tpu.memory_space<hbm>>
    %dma_wait3A_53 = tpu.memref_squeeze %dma_wait3A_52 : memref<1x1x8192xi32, #tpu.memory_space<hbm>> -> memref<8192xi32, #tpu.memory_space<hbm>>
    %dma_wait3A_54 = tpu.memref_slice %arg2[%select_n3A, %dma_wait3A, %mul3A_32] : memref<4x2x32768xi32, #tpu.memory_space<hbm>> -> memref<1x1x8192xi32, #tpu.memory_space<hbm>>
    %dma_wait3A_55 = tpu.memref_squeeze %dma_wait3A_54 : memref<1x1x8192xi32, #tpu.memory_space<hbm>> -> memref<8192xi32, #tpu.memory_space<hbm>>
    tpu.wait_dma2 semaphore(%arg11 : memref<!tpu.dma_semaphore, #tpu.memory_space<semaphore_mem>>) src(%dma_wait3A_55 : memref<8192xi32, #tpu.memory_space<hbm>>) dst(%arg5 : memref<8192xi32, #tpu.memory_space<vmem>>)
    %dma_wait3A_56 = arith.constant 1 : i32
    %dma_wait3A_57 = tpu.memref_slice %arg2[%select_n3A, %dma_wait3A_56, %mul3A_32] : memref<4x2x32768xi32, #tpu.memory_space<hbm>> -> memref<1x1x8192xi32, #tpu.memory_space<hbm>>
    %dma_wait3A_58 = tpu.memref_squeeze %dma_wait3A_57 : memref<1x1x8192xi32, #tpu.memory_space<hbm>> -> memref<8192xi32, #tpu.memory_space<hbm>>
    %dma_wait3A_59 = tpu.memref_slice %arg2[%select_n3A, %dma_wait3A_56, %mul3A_32] : memref<4x2x32768xi32, #tpu.memory_space<hbm>> -> memref<1x1x8192xi32, #tpu.memory_space<hbm>>
    %dma_wait3A_60 = tpu.memref_squeeze %dma_wait3A_59 : memref<1x1x8192xi32, #tpu.memory_space<hbm>> -> memref<8192xi32, #tpu.memory_space<hbm>>
    tpu.wait_dma2 semaphore(%arg11 : memref<!tpu.dma_semaphore, #tpu.memory_space<semaphore_mem>>) src(%dma_wait3A_60 : memref<8192xi32, #tpu.memory_space<hbm>>) dst(%arg6 : memref<8192xi32, #tpu.memory_space<vmem>>)
    %dma_wait3A_61 = tpu.memref_slice %arg3[%select_n3A, %mul3A_32] : memref<4x32768xi32, #tpu.memory_space<hbm>> -> memref<1x8192xi32, #tpu.memory_space<hbm>>
    %dma_wait3A_62 = tpu.memref_squeeze %dma_wait3A_61 : memref<1x8192xi32, #tpu.memory_space<hbm>> -> memref<8192xi32, #tpu.memory_space<hbm>>
    %dma_wait3A_63 = tpu.memref_slice %arg3[%select_n3A, %mul3A_32] : memref<4x32768xi32, #tpu.memory_space<hbm>> -> memref<1x8192xi32, #tpu.memory_space<hbm>>
    %dma_wait3A_64 = tpu.memref_squeeze %dma_wait3A_63 : memref<1x8192xi32, #tpu.memory_space<hbm>> -> memref<8192xi32, #tpu.memory_space<hbm>>
    tpu.wait_dma2 semaphore(%arg11 : memref<!tpu.dma_semaphore, #tpu.memory_space<semaphore_mem>>) src(%dma_wait3A_64 : memref<8192xi32, #tpu.memory_space<hbm>>) dst(%arg7 : memref<8192xi32, #tpu.memory_space<vmem>>)
    %iota3A = tpu.iota {dimensions = array<i32: 0>} : vector<16xi32>
    %and3A_65 = arith.constant 7 : i32
    %and3A_66 = vector.broadcast %and3A_65 : i32 to vector<16xi32>
    %and3A_67 = arith.andi %iota3A, %and3A_66 : vector<16xi32>
    %mul3A_68 = arith.constant 2048 : i32
    %mul3A_69 = vector.broadcast %mul3A_68 : i32 to vector<16xi32>
    %mul3A_70 = arith.muli %and3A_67, %mul3A_69 : vector<16xi32>
    %lt3A_71 = arith.constant 8 : i32
    %lt3A_72 = vector.broadcast %lt3A_71 : i32 to vector<16xi32>
    %lt3A_73 = arith.cmpi slt, %iota3A, %lt3A_72 : vector<16xi32>
    %not3A = arith.constant dense<true> : vector<16xi1>
    %not3A_74 = arith.xori %lt3A_73, %not3A : vector<16xi1>
    %scan3A_75 = arith.constant 0 : i32
    %scan3A_76 = arith.constant 0 : i32
    %scan3A_77 = arith.constant 512 : i32
    %scan3A_78 = arith.addi %scan3A_76, %scan3A_77 : i32
    %scan3A_79 = arith.constant 1 : i32
    scf.for %scan3A_87 = %scan3A_76 to %scan3A_78 step %scan3A_79  : i32 {
      %mul3A_88 = arith.constant 16 : i32
      %mul3A_89 = arith.muli %scan3A_87, %mul3A_88 : i32
      %get3A = arith.index_cast %mul3A_89 : i32 to index
      %get3A_90 = tpu.vector_load %arg5[%get3A] {strides = array<i32>} : memref<8192xi32, #tpu.memory_space<vmem>>, vector<16xi32>,
      %get3A_91 = arith.index_cast %mul3A_89 : i32 to index
      %get3A_92 = tpu.vector_load %arg6[%get3A_91] {strides = array<i32>} : memref<8192xi32, #tpu.memory_space<vmem>>, vector<16xi32>,
      %get3A_93 = arith.index_cast %mul3A_89 : i32 to index
      %get3A_94 = tpu.vector_load %arg7[%get3A_93] {strides = array<i32>} : memref<8192xi32, #tpu.memory_space<vmem>>, vector<16xi32>,
      %mul3A_95 = arith.constant 65535 : i32
      %mul3A_96 = vector.broadcast %mul3A_95 : i32 to vector<16xi32>
      %mul3A_97 = arith.muli %get3A_94, %mul3A_96 : vector<16xi32>
      %add3A_98 = arith.constant 1 : i32
      %add3A_99 = vector.broadcast %add3A_98 : i32 to vector<16xi32>
      %add3A_100 = arith.addi %add3A_99, %mul3A_97 : vector<16xi32>
      %add3A_101 = arith.addi %mul3A_70, %get3A_92 : vector<16xi32>
      %add3A_102 = arith.addi %mul3A_70, %get3A_90 : vector<16xi32>
      %eq3A_103 = arith.constant 0 : i32
      %eq3A_104 = vector.broadcast %eq3A_103 : i32 to vector<16xi32>
      %eq3A_105 = arith.cmpi eq, %get3A_92, %eq3A_104 : vector<16xi32>
      tpu.vector_store_idx %arg8[%add3A_101], %add3A_100 masked %lt3A_73 {add = true} : memref<16384xi32, #tpu.memory_space<vmem>>[vector<16xi32>], vector<16xi32>, vector<16xi1>
      tpu.vector_store_idx %arg8[%add3A_101], %add3A_100 masked %not3A_74 {add = true} : memref<16384xi32, #tpu.memory_space<vmem>>[vector<16xi32>], vector<16xi32>, vector<16xi1>
      %and3A_106 = arith.andi %eq3A_105, %lt3A_73 : vector<16xi1>
      tpu.vector_store_idx %arg9[%add3A_102], %add3A_100 masked %and3A_106 {add = true} : memref<16384xi32, #tpu.memory_space<vmem>>[vector<16xi32>], vector<16xi32>, vector<16xi1>
      %and3A_107 = arith.andi %eq3A_105, %not3A_74 : vector<16xi1>
      tpu.vector_store_idx %arg9[%add3A_102], %add3A_100 masked %and3A_107 {add = true} : memref<16384xi32, #tpu.memory_space<vmem>>[vector<16xi32>], vector<16xi32>, vector<16xi1>
    }
    %scan3A_80 = arith.constant 512 : i32
    %scan3A_81 = arith.constant 0 : i32
    %scan3A_82 = arith.constant 0 : i32
    %scan3A_83 = arith.constant 128 : i32
    %scan3A_84 = arith.addi %scan3A_82, %scan3A_83 : i32
    %scan3A_85 = arith.constant 1 : i32
    scf.for %scan3A_87 = %scan3A_82 to %scan3A_84 step %scan3A_85  : i32 {
      %mul3A_88 = arith.constant 16 : i32
      %mul3A_89 = arith.muli %scan3A_87, %mul3A_88 : i32
      %get3A = arith.index_cast %mul3A_89 : i32 to index
      %get3A_90 = tpu.vector_load %arg8[%get3A] {strides = array<i32>} : memref<16384xi32, #tpu.memory_space<vmem>>, vector<16xi32>,
      %get3A_91 = arith.index_cast %mul3A_89 : i32 to index
      %get3A_92 = tpu.vector_load %arg9[%get3A_91] {strides = array<i32>} : memref<16384xi32, #tpu.memory_space<vmem>>, vector<16xi32>,
      %add3A_93 = arith.constant 2048 : i32
      %add3A_94 = arith.addi %add3A_93, %mul3A_89 : i32
      %get3A_95 = arith.index_cast %add3A_94 : i32 to index
      %get3A_96 = tpu.vector_load %arg8[%get3A_95] {strides = array<i32>} : memref<16384xi32, #tpu.memory_space<vmem>>, vector<16xi32>,
      %add3A_97 = arith.addi %get3A_90, %get3A_96 : vector<16xi32>
      %add3A_98 = arith.constant 2048 : i32
      %add3A_99 = arith.addi %add3A_98, %mul3A_89 : i32
      %get3A_100 = arith.index_cast %add3A_99 : i32 to index
      %get3A_101 = tpu.vector_load %arg9[%get3A_100] {strides = array<i32>} : memref<16384xi32, #tpu.memory_space<vmem>>, vector<16xi32>,
      %add3A_102 = arith.addi %get3A_92, %get3A_101 : vector<16xi32>
      %add3A_103 = arith.constant 4096 : i32
      %add3A_104 = arith.addi %add3A_103, %mul3A_89 : i32
      %get3A_105 = arith.index_cast %add3A_104 : i32 to index
      %get3A_106 = tpu.vector_load %arg8[%get3A_105] {strides = array<i32>} : memref<16384xi32, #tpu.memory_space<vmem>>, vector<16xi32>,
      %add3A_107 = arith.addi %add3A_97, %get3A_106 : vector<16xi32>
      %add3A_108 = arith.constant 4096 : i32
      %add3A_109 = arith.addi %add3A_108, %mul3A_89 : i32
      %get3A_110 = arith.index_cast %add3A_109 : i32 to index
      %get3A_111 = tpu.vector_load %arg9[%get3A_110] {strides = array<i32>} : memref<16384xi32, #tpu.memory_space<vmem>>, vector<16xi32>,
      %add3A_112 = arith.addi %add3A_102, %get3A_111 : vector<16xi32>
      %add3A_113 = arith.constant 6144 : i32
      %add3A_114 = arith.addi %add3A_113, %mul3A_89 : i32
      %get3A_115 = arith.index_cast %add3A_114 : i32 to index
      %get3A_116 = tpu.vector_load %arg8[%get3A_115] {strides = array<i32>} : memref<16384xi32, #tpu.memory_space<vmem>>, vector<16xi32>,
      %add3A_117 = arith.addi %add3A_107, %get3A_116 : vector<16xi32>
      %add3A_118 = arith.constant 6144 : i32
      %add3A_119 = arith.addi %add3A_118, %mul3A_89 : i32
      %get3A_120 = arith.index_cast %add3A_119 : i32 to index
      %get3A_121 = tpu.vector_load %arg9[%get3A_120] {strides = array<i32>} : memref<16384xi32, #tpu.memory_space<vmem>>, vector<16xi32>,
      %add3A_122 = arith.addi %add3A_112, %get3A_121 : vector<16xi32>
      %add3A_123 = arith.constant 8192 : i32
      %add3A_124 = arith.addi %add3A_123, %mul3A_89 : i32
      %get3A_125 = arith.index_cast %add3A_124 : i32 to index
      %get3A_126 = tpu.vector_load %arg8[%get3A_125] {strides = array<i32>} : memref<16384xi32, #tpu.memory_space<vmem>>, vector<16xi32>,
      %add3A_127 = arith.addi %add3A_117, %get3A_126 : vector<16xi32>
      %add3A_128 = arith.constant 8192 : i32
      %add3A_129 = arith.addi %add3A_128, %mul3A_89 : i32
      %get3A_130 = arith.index_cast %add3A_129 : i32 to index
      %get3A_131 = tpu.vector_load %arg9[%get3A_130] {strides = array<i32>} : memref<16384xi32, #tpu.memory_space<vmem>>, vector<16xi32>,
      %add3A_132 = arith.addi %add3A_122, %get3A_131 : vector<16xi32>
      %add3A_133 = arith.constant 10240 : i32
      %add3A_134 = arith.addi %add3A_133, %mul3A_89 : i32
      %get3A_135 = arith.index_cast %add3A_134 : i32 to index
      %get3A_136 = tpu.vector_load %arg8[%get3A_135] {strides = array<i32>} : memref<16384xi32, #tpu.memory_space<vmem>>, vector<16xi32>,
      %add3A_137 = arith.addi %add3A_127, %get3A_136 : vector<16xi32>
      %add3A_138 = arith.constant 10240 : i32
      %add3A_139 = arith.addi %add3A_138, %mul3A_89 : i32
      %get3A_140 = arith.index_cast %add3A_139 : i32 to index
      %get3A_141 = tpu.vector_load %arg9[%get3A_140] {strides = array<i32>} : memref<16384xi32, #tpu.memory_space<vmem>>, vector<16xi32>,
      %add3A_142 = arith.addi %add3A_132, %get3A_141 : vector<16xi32>
      %add3A_143 = arith.constant 12288 : i32
      %add3A_144 = arith.addi %add3A_143, %mul3A_89 : i32
      %get3A_145 = arith.index_cast %add3A_144 : i32 to index
      %get3A_146 = tpu.vector_load %arg8[%get3A_145] {strides = array<i32>} : memref<16384xi32, #tpu.memory_space<vmem>>, vector<16xi32>,
      %add3A_147 = arith.addi %add3A_137, %get3A_146 : vector<16xi32>
      %add3A_148 = arith.constant 12288 : i32
      %add3A_149 = arith.addi %add3A_148, %mul3A_89 : i32
      %get3A_150 = arith.index_cast %add3A_149 : i32 to index
      %get3A_151 = tpu.vector_load %arg9[%get3A_150] {strides = array<i32>} : memref<16384xi32, #tpu.memory_space<vmem>>, vector<16xi32>,
      %add3A_152 = arith.addi %add3A_142, %get3A_151 : vector<16xi32>
      %add3A_153 = arith.constant 14336 : i32
      %add3A_154 = arith.addi %add3A_153, %mul3A_89 : i32
      %get3A_155 = arith.index_cast %add3A_154 : i32 to index
      %get3A_156 = tpu.vector_load %arg8[%get3A_155] {strides = array<i32>} : memref<16384xi32, #tpu.memory_space<vmem>>, vector<16xi32>,
      %add3A_157 = arith.addi %add3A_147, %get3A_156 : vector<16xi32>
      %add3A_158 = arith.constant 14336 : i32
      %add3A_159 = arith.addi %add3A_158, %mul3A_89 : i32
      %get3A_160 = arith.index_cast %add3A_159 : i32 to index
      %get3A_161 = tpu.vector_load %arg9[%get3A_160] {strides = array<i32>} : memref<16384xi32, #tpu.memory_space<vmem>>, vector<16xi32>,
      %add3A_162 = arith.addi %add3A_152, %get3A_161 : vector<16xi32>
      %swap3A = arith.constant 0 : i32
      %swap3A_163 = arith.index_cast %swap3A : i32 to index
      %swap3A_164 = arith.index_cast %mul3A_89 : i32 to index
      %swap3A_165 = tpu.vector_load %arg10[%swap3A_163, %swap3A_164] {strides = array<i32>} : memref<2x2048xi32, #tpu.memory_space<vmem>>, vector<16xi32>,
      tpu.vector_store %arg10[%swap3A_163, %swap3A_164], %add3A_157 {strides = array<i32>} : memref<2x2048xi32, #tpu.memory_space<vmem>>, vector<16xi32>,
      %swap3A_166 = arith.constant 1 : i32
      %swap3A_167 = arith.index_cast %swap3A_166 : i32 to index
      %swap3A_168 = arith.index_cast %mul3A_89 : i32 to index
      %swap3A_169 = tpu.vector_load %arg10[%swap3A_167, %swap3A_168] {strides = array<i32>} : memref<2x2048xi32, #tpu.memory_space<vmem>>, vector<16xi32>,
      tpu.vector_store %arg10[%swap3A_167, %swap3A_168], %add3A_162 {strides = array<i32>} : memref<2x2048xi32, #tpu.memory_space<vmem>>, vector<16xi32>,
    }
    %scan3A_86 = arith.constant 128 : i32
    "tpu.region"() ({
      %run_scoped3A = tpu.sem_alloc : memref<!tpu.dma_semaphore, #tpu.memory_space<semaphore_mem>>
      %dma_start3A_87 = arith.constant 0 : i32
      %dma_start3A_88 = arith.constant 0 : i32
      %dma_start3A_89 = tpu.memref_slice %arg4[%select_n3A, %select_n3A_30, %dma_start3A_87, %dma_start3A_88] : memref<4x4x2x2048xi32, #tpu.memory_space<hbm>> -> memref<1x1x2x2048xi32, #tpu.memory_space<hbm>>
      %dma_start3A_90 = tpu.memref_squeeze %dma_start3A_89 : memref<1x1x2x2048xi32, #tpu.memory_space<hbm>> -> memref<2x2048xi32, #tpu.memory_space<hbm>>
      %dma_start3A_91 = arith.constant 0 : i32
      %dma_start3A_92 = arith.constant 0 : i32
      %dma_start3A_93 = tpu.memref_slice %arg4[%select_n3A, %select_n3A_30, %dma_start3A_91, %dma_start3A_92] : memref<4x4x2x2048xi32, #tpu.memory_space<hbm>> -> memref<1x1x2x2048xi32, #tpu.memory_space<hbm>>
      %dma_start3A_94 = tpu.memref_squeeze %dma_start3A_93 : memref<1x1x2x2048xi32, #tpu.memory_space<hbm>> -> memref<2x2048xi32, #tpu.memory_space<hbm>>
      tpu.enqueue_dma source(%arg10 : memref<2x2048xi32, #tpu.memory_space<vmem>>) target(%dma_start3A_94 : memref<2x2048xi32, #tpu.memory_space<hbm>>) target_semaphore(%run_scoped3A : memref<!tpu.dma_semaphore, #tpu.memory_space<semaphore_mem>>)
      %dma_wait3A_95 = arith.constant 0 : i32
      %dma_wait3A_96 = arith.constant 0 : i32
      %dma_wait3A_97 = tpu.memref_slice %arg4[%select_n3A, %select_n3A_30, %dma_wait3A_95, %dma_wait3A_96] : memref<4x4x2x2048xi32, #tpu.memory_space<hbm>> -> memref<1x1x2x2048xi32, #tpu.memory_space<hbm>>
      %dma_wait3A_98 = tpu.memref_squeeze %dma_wait3A_97 : memref<1x1x2x2048xi32, #tpu.memory_space<hbm>> -> memref<2x2048xi32, #tpu.memory_space<hbm>>
      %dma_wait3A_99 = arith.constant 0 : i32
      %dma_wait3A_100 = arith.constant 0 : i32
      %dma_wait3A_101 = tpu.memref_slice %arg4[%select_n3A, %select_n3A_30, %dma_wait3A_99, %dma_wait3A_100] : memref<4x4x2x2048xi32, #tpu.memory_space<hbm>> -> memref<1x1x2x2048xi32, #tpu.memory_space<hbm>>
      %dma_wait3A_102 = tpu.memref_squeeze %dma_wait3A_101 : memref<1x1x2x2048xi32, #tpu.memory_space<hbm>> -> memref<2x2048xi32, #tpu.memory_space<hbm>>
      tpu.wait_dma2 semaphore(%run_scoped3A : memref<!tpu.dma_semaphore, #tpu.memory_space<semaphore_mem>>) src(%arg10 : memref<2x2048xi32, #tpu.memory_space<vmem>>) dst(%dma_wait3A_102 : memref<2x2048xi32, #tpu.memory_space<hbm>>)
      tpu.yield
    }) : () -> ()
    return
  }
}

module attributes {stable_mosaic.version = 14 : i64} {
  func.func @_ng_body(%arg0: i32, %arg1: memref<4x32768xf32, #tpu.memory_space<vmem>>, %arg2: memref<32768x128xf32, #tpu.memory_space<vmem>>, %arg3: memref<4x128xf32, #tpu.memory_space<vmem>>) attributes {dimension_semantics = [#tpu.dimension_semantics<arbitrary>], iteration_bounds = array<i64: 8>, scalar_prefetch = 0 : i64, scratch_operands = 0 : i64, tpu.core_type = #tpu.core_type<tc>, window_params = [{transform_indices = @transform_0, window_bounds = array<i64: 4, 32768>}, {transform_indices = @transform_1, window_bounds = array<i64: 32768, 128>}, {pipeline_mode = #tpu.pipeline_mode<synchronous>, transform_indices = @transform_2, window_bounds = array<i64: 4, 128>}]} {
    %eq3A = arith.constant 0 : i32
    %eq3A_0 = arith.cmpi eq, %arg0, %eq3A : i32
    %convert_element_type3A = arith.extui %eq3A_0 : i1 to i32
    %cond3A = arith.constant 0 : i32
    %cond3A_1 = arith.cmpi ne, %convert_element_type3A, %cond3A : i32
    scf.if %cond3A_1 {
      %broadcast_in_dim3A = arith.constant 0.000000e+00 : f32
      %broadcast_in_dim3A_13 = vector.broadcast %broadcast_in_dim3A : f32 to vector<4x128xf32>
      %swap3A_14 = arith.constant 0 : index
      %swap3A_15 = arith.constant 0 : index
      %swap3A_16 = vector.load %arg3[%swap3A_14, %swap3A_15] : memref<4x128xf32, #tpu.memory_space<vmem>>, vector<4x128xf32>
      tpu.vector_store %arg3[%swap3A_14, %swap3A_15], %broadcast_in_dim3A_13 {strides = array<i32>} : memref<4x128xf32, #tpu.memory_space<vmem>>, vector<4x128xf32>,
    } else {
    }
    %get3A = arith.constant 0 : index
    %get3A_2 = arith.constant 0 : index
    %get3A_3 = vector.load %arg3[%get3A, %get3A_2] : memref<4x128xf32, #tpu.memory_space<vmem>>, vector<4x128xf32>
    %get3A_4 = arith.constant 0 : index
    %get3A_5 = arith.constant 0 : index
    %get3A_6 = vector.load %arg1[%get3A_4, %get3A_5] : memref<4x32768xf32, #tpu.memory_space<vmem>>, vector<4x32768xf32>
    %get3A_7 = arith.constant 0 : index
    %get3A_8 = arith.constant 0 : index
    %get3A_9 = vector.load %arg2[%get3A_7, %get3A_8] : memref<32768x128xf32, #tpu.memory_space<vmem>>, vector<32768x128xf32>
    %dot_general3A = arith.constant dense<0.000000e+00> : vector<4x128xf32>
    %dot_general3A_10 = tpu.matmul %get3A_6, %get3A_9, %dot_general3A {dimension_numbers = #tpu.dot_dimension_numbers<[1], [0], [0], [1], [0, 0, 1, 1], [], []>, transpose_lhs_hint = false} : vector<4x32768xf32>, vector<32768x128xf32>, vector<4x128xf32> -> vector<4x128xf32>
    %add3A = arith.addf %get3A_3, %dot_general3A_10 : vector<4x128xf32>
    %swap3A = arith.constant 0 : index
    %swap3A_11 = arith.constant 0 : index
    %swap3A_12 = vector.load %arg3[%swap3A, %swap3A_11] : memref<4x128xf32, #tpu.memory_space<vmem>>, vector<4x128xf32>
    tpu.vector_store %arg3[%swap3A, %swap3A_11], %add3A {strides = array<i32>} : memref<4x128xf32, #tpu.memory_space<vmem>>, vector<4x128xf32>,
    return
  }
  func.func @transform_0(%arg0: i32) -> (i32, i32) {
    %c0_i32 = arith.constant 0 : i32
    %c0_i32_0 = arith.constant 0 : i32
    return %c0_i32, %arg0 : i32, i32
  }
  func.func @transform_1(%arg0: i32) -> (i32, i32) {
    %c0_i32 = arith.constant 0 : i32
    %c0_i32_0 = arith.constant 0 : i32
    return %arg0, %c0_i32 : i32, i32
  }
  func.func @transform_2(%arg0: i32) -> (i32, i32) {
    %c0_i32 = arith.constant 0 : i32
    %c0_i32_0 = arith.constant 0 : i32
    %c0_i32_1 = arith.constant 0 : i32
    return %c0_i32, %c0_i32_0 : i32, i32
  }
}

module attributes {stable_mosaic.version = 14 : i64} {
  func.func @_tail_body(%arg0: i32, %arg1: i32, %arg2: memref<4x4x2x2048xi32, #tpu.memory_space<vmem>>, %arg3: memref<4x2048x128xf32, #tpu.memory_space<vmem>>, %arg4: memref<4x128xf32, #tpu.memory_space<vmem>>, %arg5: memref<2x128x128xf32, #tpu.memory_space<vmem>>, %arg6: memref<128x128xf32, #tpu.memory_space<vmem>>, %arg7: memref<128x128xf32, #tpu.memory_space<vmem>>, %arg8: memref<2000x128xf32, #tpu.memory_space<vmem>>, %arg9: memref<1x2000xf32, #tpu.memory_space<vmem>>, %arg10: memref<8192x128xf32, #tpu.memory_space<vmem>>, %arg11: memref<1x8192xf32, #tpu.memory_space<vmem>>, %arg12: memref<4x8192xf32, #tpu.memory_space<vmem>>, %arg13: memref<4x2000xf32, #tpu.memory_space<vmem>>, %arg14: memref<4x128xf32, #tpu.memory_space<vmem>>, %arg15: memref<4x57344xf32, #tpu.memory_space<vmem>>, %arg16: memref<4x1xf32, #tpu.memory_space<vmem>>, %arg17: memref<4x1xf32, #tpu.memory_space<vmem>>) attributes {dimension_semantics = [#tpu.dimension_semantics<arbitrary>, #tpu.dimension_semantics<arbitrary>], iteration_bounds = array<i64: 2, 7>, scalar_prefetch = 0 : i64, scratch_operands = 4 : i64, tpu.core_type = #tpu.core_type<tc>, window_params = [{pipeline_mode = #tpu.pipeline_mode<synchronous>, transform_indices = @transform_0, window_bounds = array<i64: 4, 4, 2, 2048>}, {pipeline_mode = #tpu.pipeline_mode<synchronous>, transform_indices = @transform_1, window_bounds = array<i64: 4, 2048, 128>}, {pipeline_mode = #tpu.pipeline_mode<synchronous>, transform_indices = @transform_2, window_bounds = array<i64: 4, 128>}, {pipeline_mode = #tpu.pipeline_mode<synchronous>, transform_indices = @transform_3, window_bounds = array<i64: 2, 128, 128>}, {pipeline_mode = #tpu.pipeline_mode<synchronous>, transform_indices = @transform_4, window_bounds = array<i64: 128, 128>}, {pipeline_mode = #tpu.pipeline_mode<synchronous>, transform_indices = @transform_5, window_bounds = array<i64: 128, 128>}, {pipeline_mode = #tpu.pipeline_mode<synchronous>, transform_indices = @transform_6, window_bounds = array<i64: 2000, 128>}, {pipeline_mode = #tpu.pipeline_mode<synchronous>, transform_indices = @transform_7, window_bounds = array<i64: 1, 2000>}, {transform_indices = @transform_8, window_bounds = array<i64: 8192, 128>}, {transform_indices = @transform_9, window_bounds = array<i64: 1, 8192>}, {transform_indices = @transform_10, window_bounds = array<i64: 4, 8192>}, {pipeline_mode = #tpu.pipeline_mode<synchronous>, transform_indices = @transform_11, window_bounds = array<i64: 4, 2000>}]} {
    %eq3A = arith.constant 0 : i32
    %eq3A_0 = arith.cmpi eq, %arg0, %eq3A : i32
    %eq3A_1 = arith.constant 0 : i32
    %eq3A_2 = arith.cmpi eq, %arg1, %eq3A_1 : i32
    %and3A = arith.andi %eq3A_0, %eq3A_2 : i1
    %convert_element_type3A = arith.extui %and3A : i1 to i32
    %cond3A = arith.constant 0 : i32
    %cond3A_3 = arith.cmpi ne, %convert_element_type3A, %cond3A : i32
    scf.if %cond3A_3 {
      %broadcast_in_dim3A = arith.constant 0.000000e+00 : f32
      %broadcast_in_dim3A_14 = vector.broadcast %broadcast_in_dim3A : f32 to vector<1x128xf32>
      %get3A = arith.constant 0 : index
      %get3A_15 = arith.constant 0 : index
      %get3A_16 = arith.constant 0 : index
      %get3A_17 = arith.constant 0 : index
      %get3A_18 = vector.load %arg2[%get3A, %get3A_15, %get3A_16, %get3A_17] : memref<4x4x2x2048xi32, #tpu.memory_space<vmem>>, vector<1x1x2x2048xi32>
      %get3A_19 = vector.shape_cast %get3A_18 : vector<1x1x2x2048xi32> to vector<2x2048xi32>
      %get3A_20 = arith.constant 0 : index
      %get3A_21 = arith.constant 1 : index
      %get3A_22 = arith.constant 0 : index
      %get3A_23 = arith.constant 0 : index
      %get3A_24 = vector.load %arg2[%get3A_20, %get3A_21, %get3A_22, %get3A_23] : memref<4x4x2x2048xi32, #tpu.memory_space<vmem>>, vector<1x1x2x2048xi32>
      %get3A_25 = vector.shape_cast %get3A_24 : vector<1x1x2x2048xi32> to vector<2x2048xi32>
      %add3A = arith.addi %get3A_19, %get3A_25 : vector<2x2048xi32>
      %get3A_26 = arith.constant 0 : index
      %get3A_27 = arith.constant 2 : index
      %get3A_28 = arith.constant 0 : index
      %get3A_29 = arith.constant 0 : index
      %get3A_30 = vector.load %arg2[%get3A_26, %get3A_27, %get3A_28, %get3A_29] : memref<4x4x2x2048xi32, #tpu.memory_space<vmem>>, vector<1x1x2x2048xi32>
      %get3A_31 = vector.shape_cast %get3A_30 : vector<1x1x2x2048xi32> to vector<2x2048xi32>
      %add3A_32 = arith.addi %add3A, %get3A_31 : vector<2x2048xi32>
      %get3A_33 = arith.constant 0 : index
      %get3A_34 = arith.constant 3 : index
      %get3A_35 = arith.constant 0 : index
      %get3A_36 = arith.constant 0 : index
      %get3A_37 = vector.load %arg2[%get3A_33, %get3A_34, %get3A_35, %get3A_36] : memref<4x4x2x2048xi32, #tpu.memory_space<vmem>>, vector<1x1x2x2048xi32>
      %get3A_38 = vector.shape_cast %get3A_37 : vector<1x1x2x2048xi32> to vector<2x2048xi32>
      %add3A_39 = arith.addi %add3A_32, %get3A_38 : vector<2x2048xi32>
      %get3A_40 = arith.constant 0 : index
      %get3A_41 = arith.constant 0 : index
      %get3A_42 = arith.constant 0 : index
      %get3A_43 = vector.load %arg3[%get3A_40, %get3A_41, %get3A_42] : memref<4x2048x128xf32, #tpu.memory_space<vmem>>, vector<1x2048x128xf32>
      %get3A_44 = vector.shape_cast %get3A_43 : vector<1x2048x128xf32> to vector<2048x128xf32>
      %slice3A = vector.extract_strided_slice %get3A_44 {offsets = [0, 0], sizes = [1, 128], strides = [1, 1]} : vector<2048x128xf32> to vector<1x128xf32>
      %get3A_45 = arith.constant 0 : index
      %get3A_46 = arith.constant 0 : index
      %get3A_47 = vector.load %arg6[%get3A_45, %get3A_46] : memref<128x128xf32, #tpu.memory_space<vmem>>, vector<128x128xf32>
      %dot_general3A = arith.constant dense<0.000000e+00> : vector<1x128xf32>
      %dot_general3A_48 = tpu.matmul %slice3A, %get3A_47, %dot_general3A {dimension_numbers = #tpu.dot_dimension_numbers<[1], [0], [0], [1], [0, 0, 1, 1], [], []>, transpose_lhs_hint = false} : vector<1x128xf32>, vector<128x128xf32>, vector<1x128xf32> -> vector<1x128xf32>
      %slice3A_49 = vector.extract_strided_slice %add3A_39 {offsets = [0, 0], sizes = [1, 2048], strides = [1, 1]} : vector<2x2048xi32> to vector<1x2048xi32>
      %shift_right_logical3A = arith.constant 0 : i32
      %shift_right_logical3A_50 = vector.broadcast %shift_right_logical3A : i32 to vector<1x2048xi32>
      %shift_right_logical3A_51 = arith.shrui %slice3A_49, %shift_right_logical3A_50 : vector<1x2048xi32>
      %and3A_52 = arith.constant 65535 : i32
      %and3A_53 = vector.broadcast %and3A_52 : i32 to vector<1x2048xi32>
      %and3A_54 = arith.andi %shift_right_logical3A_51, %and3A_53 : vector<1x2048xi32>
      %slice3A_55 = vector.extract_strided_slice %add3A_39 {offsets = [1, 0], sizes = [1, 2048], strides = [1, 1]} : vector<2x2048xi32> to vector<1x2048xi32>
      %shift_right_logical3A_56 = arith.constant 0 : i32
      %shift_right_logical3A_57 = vector.broadcast %shift_right_logical3A_56 : i32 to vector<1x2048xi32>
      %shift_right_logical3A_58 = arith.shrui %slice3A_55, %shift_right_logical3A_57 : vector<1x2048xi32>
      %and3A_59 = arith.constant 65535 : i32
      %and3A_60 = vector.broadcast %and3A_59 : i32 to vector<1x2048xi32>
      %and3A_61 = arith.andi %shift_right_logical3A_58, %and3A_60 : vector<1x2048xi32>
      %convert_element_type3A_62 = arith.sitofp %and3A_54 : vector<1x2048xi32> to vector<1x2048xf32>
      %add3A_63 = arith.constant 1.000000e+00 : f32
      %add3A_64 = vector.broadcast %add3A_63 : f32 to vector<1x2048xf32>
      %add3A_65 = arith.addf %convert_element_type3A_62, %add3A_64 : vector<1x2048xf32>
      %convert_element_type3A_66 = arith.sitofp %and3A_61 : vector<1x2048xi32> to vector<1x2048xf32>
      %slice3A_67 = vector.extract_strided_slice %add3A_65 {offsets = [0, 0], sizes = [1, 1], strides = [1, 1]} : vector<1x2048xf32> to vector<1x1xf32>
      %mul3A = vector.broadcast %slice3A_67 : vector<1x1xf32> to vector<1x2048xf32>
      %mul3A_68 = arith.mulf %add3A_65, %mul3A : vector<1x2048xf32>
      %rsqrt3A = math.rsqrt %mul3A_68 : vector<1x2048xf32>
      %mul3A_69 = arith.mulf %convert_element_type3A_66, %rsqrt3A : vector<1x2048xf32>
      %dot_general3A_70 = arith.constant dense<0.000000e+00> : vector<1x128xf32>
      %dot_general3A_71 = tpu.matmul %mul3A_69, %get3A_44, %dot_general3A_70 {dimension_numbers = #tpu.dot_dimension_numbers<[1], [0], [0], [1], [0, 0, 1, 1], [], []>, transpose_lhs_hint = false} : vector<1x2048xf32>, vector<2048x128xf32>, vector<1x128xf32> -> vector<1x128xf32>
      %div3A = vector.broadcast %slice3A_67 : vector<1x1xf32> to vector<1x128xf32>
      %div3A_72 = arith.divf %slice3A, %div3A : vector<1x128xf32>
      %add3A_73 = arith.addf %dot_general3A_71, %div3A_72 : vector<1x128xf32>
      %get3A_74 = arith.constant 0 : index
      %get3A_75 = arith.constant 0 : index
      %get3A_76 = arith.constant 0 : index
      %get3A_77 = vector.load %arg5[%get3A_74, %get3A_75, %get3A_76] : memref<2x128x128xf32, #tpu.memory_space<vmem>>, vector<1x128x128xf32>
      %get3A_78 = vector.shape_cast %get3A_77 : vector<1x128x128xf32> to vector<128x128xf32>
      %dot_general3A_79 = arith.constant dense<0.000000e+00> : vector<1x128xf32>
      %dot_general3A_80 = tpu.matmul %add3A_73, %get3A_78, %dot_general3A_79 {dimension_numbers = #tpu.dot_dimension_numbers<[1], [0], [0], [1], [0, 0, 1, 1], [], []>, transpose_lhs_hint = false} : vector<1x128xf32>, vector<128x128xf32>, vector<1x128xf32> -> vector<1x128xf32>
      %add3A_81 = arith.addf %dot_general3A_48, %dot_general3A_80 : vector<1x128xf32>
      %slice3A_82 = vector.extract_strided_slice %add3A_39 {offsets = [0, 0], sizes = [1, 2048], strides = [1, 1]} : vector<2x2048xi32> to vector<1x2048xi32>
      %shift_right_logical3A_83 = arith.constant 16 : i32
      %shift_right_logical3A_84 = vector.broadcast %shift_right_logical3A_83 : i32 to vector<1x2048xi32>
      %shift_right_logical3A_85 = arith.shrui %slice3A_82, %shift_right_logical3A_84 : vector<1x2048xi32>
      %and3A_86 = arith.constant 65535 : i32
      %and3A_87 = vector.broadcast %and3A_86 : i32 to vector<1x2048xi32>
      %and3A_88 = arith.andi %shift_right_logical3A_85, %and3A_87 : vector<1x2048xi32>
      %slice3A_89 = vector.extract_strided_slice %add3A_39 {offsets = [1, 0], sizes = [1, 2048], strides = [1, 1]} : vector<2x2048xi32> to vector<1x2048xi32>
      %shift_right_logical3A_90 = arith.constant 16 : i32
      %shift_right_logical3A_91 = vector.broadcast %shift_right_logical3A_90 : i32 to vector<1x2048xi32>
      %shift_right_logical3A_92 = arith.shrui %slice3A_89, %shift_right_logical3A_91 : vector<1x2048xi32>
      %and3A_93 = arith.constant 65535 : i32
      %and3A_94 = vector.broadcast %and3A_93 : i32 to vector<1x2048xi32>
      %and3A_95 = arith.andi %shift_right_logical3A_92, %and3A_94 : vector<1x2048xi32>
      %convert_element_type3A_96 = arith.sitofp %and3A_88 : vector<1x2048xi32> to vector<1x2048xf32>
      %add3A_97 = arith.constant 1.000000e+00 : f32
      %add3A_98 = vector.broadcast %add3A_97 : f32 to vector<1x2048xf32>
      %add3A_99 = arith.addf %convert_element_type3A_96, %add3A_98 : vector<1x2048xf32>
      %convert_element_type3A_100 = arith.sitofp %and3A_95 : vector<1x2048xi32> to vector<1x2048xf32>
      %slice3A_101 = vector.extract_strided_slice %add3A_99 {offsets = [0, 0], sizes = [1, 1], strides = [1, 1]} : vector<1x2048xf32> to vector<1x1xf32>
      %mul3A_102 = vector.broadcast %slice3A_101 : vector<1x1xf32> to vector<1x2048xf32>
      %mul3A_103 = arith.mulf %add3A_99, %mul3A_102 : vector<1x2048xf32>
      %rsqrt3A_104 = math.rsqrt %mul3A_103 : vector<1x2048xf32>
      %mul3A_105 = arith.mulf %convert_element_type3A_100, %rsqrt3A_104 : vector<1x2048xf32>
      %dot_general3A_106 = arith.constant dense<0.000000e+00> : vector<1x128xf32>
      %dot_general3A_107 = tpu.matmul %mul3A_105, %get3A_44, %dot_general3A_106 {dimension_numbers = #tpu.dot_dimension_numbers<[1], [0], [0], [1], [0, 0, 1, 1], [], []>, transpose_lhs_hint = false} : vector<1x2048xf32>, vector<2048x128xf32>, vector<1x128xf32> -> vector<1x128xf32>
      %div3A_108 = vector.broadcast %slice3A_101 : vector<1x1xf32> to vector<1x128xf32>
      %div3A_109 = arith.divf %slice3A, %div3A_108 : vector<1x128xf32>
      %add3A_110 = arith.addf %dot_general3A_107, %div3A_109 : vector<1x128xf32>
      %get3A_111 = arith.constant 1 : index
      %get3A_112 = arith.constant 0 : index
      %get3A_113 = arith.constant 0 : index
      %get3A_114 = vector.load %arg5[%get3A_111, %get3A_112, %get3A_113] : memref<2x128x128xf32, #tpu.memory_space<vmem>>, vector<1x128x128xf32>
      %get3A_115 = vector.shape_cast %get3A_114 : vector<1x128x128xf32> to vector<128x128xf32>
      %dot_general3A_116 = arith.constant dense<0.000000e+00> : vector<1x128xf32>
      %dot_general3A_117 = tpu.matmul %add3A_110, %get3A_115, %dot_general3A_116 {dimension_numbers = #tpu.dot_dimension_numbers<[1], [0], [0], [1], [0, 0, 1, 1], [], []>, transpose_lhs_hint = false} : vector<1x128xf32>, vector<128x128xf32>, vector<1x128xf32> -> vector<1x128xf32>
      %add3A_118 = arith.addf %add3A_81, %dot_general3A_117 : vector<1x128xf32>
      %get3A_119 = arith.constant 0 : index
      %get3A_120 = arith.constant 0 : index
      %get3A_121 = vector.load %arg4[%get3A_119, %get3A_120] : memref<4x128xf32, #tpu.memory_space<vmem>>, vector<1x128xf32>
      %get3A_122 = arith.constant 0 : index
      %get3A_123 = arith.constant 0 : index
      %get3A_124 = vector.load %arg7[%get3A_122, %get3A_123] : memref<128x128xf32, #tpu.memory_space<vmem>>, vector<128x128xf32>
      %dot_general3A_125 = arith.constant dense<0.000000e+00> : vector<1x128xf32>
      %dot_general3A_126 = tpu.matmul %broadcast_in_dim3A_14, %get3A_124, %dot_general3A_125 {dimension_numbers = #tpu.dot_dimension_numbers<[1], [0], [0], [1], [0, 0, 1, 1], [], []>, transpose_lhs_hint = false} : vector<1x128xf32>, vector<128x128xf32>, vector<1x128xf32> -> vector<1x128xf32>
      %add3A_127 = arith.addf %get3A_121, %dot_general3A_126 : vector<1x128xf32>
      %logistic3A = arith.negf %add3A_127 : vector<1x128xf32>
      %logistic3A_128 = math.exp %logistic3A : vector<1x128xf32>
      %logistic3A_129 = arith.constant 1.000000e+00 : f32
      %logistic3A_130 = vector.broadcast %logistic3A_129 : f32 to vector<1x128xf32>
      %logistic3A_131 = arith.addf %logistic3A_130, %logistic3A_128 : vector<1x128xf32>
      %logistic3A_132 = arith.divf %logistic3A_130, %logistic3A_131 : vector<1x128xf32>
      %mul3A_133 = arith.mulf %logistic3A_132, %add3A_118 : vector<1x128xf32>
      %sub3A = arith.constant 1.000000e+00 : f32
      %sub3A_134 = vector.broadcast %sub3A : f32 to vector<1x128xf32>
      %sub3A_135 = arith.subf %sub3A_134, %logistic3A_132 : vector<1x128xf32>
      %mul3A_136 = arith.mulf %sub3A_135, %broadcast_in_dim3A_14 : vector<1x128xf32>
      %add3A_137 = arith.addf %mul3A_133, %mul3A_136 : vector<1x128xf32>
      %max3A = arith.constant 0.000000e+00 : f32
      %max3A_138 = vector.broadcast %max3A : f32 to vector<1x128xf32>
      %max3A_139 = arith.maximumf %add3A_137, %max3A_138 : vector<1x128xf32>
      %get3A_140 = arith.constant 1 : index
      %get3A_141 = arith.constant 0 : index
      %get3A_142 = arith.constant 0 : index
      %get3A_143 = arith.constant 0 : index
      %get3A_144 = vector.load %arg2[%get3A_140, %get3A_141, %get3A_142, %get3A_143] : memref<4x4x2x2048xi32, #tpu.memory_space<vmem>>, vector<1x1x2x2048xi32>
      %get3A_145 = vector.shape_cast %get3A_144 : vector<1x1x2x2048xi32> to vector<2x2048xi32>
      %get3A_146 = arith.constant 1 : index
      %get3A_147 = arith.constant 1 : index
      %get3A_148 = arith.constant 0 : index
      %get3A_149 = arith.constant 0 : index
      %get3A_150 = vector.load %arg2[%get3A_146, %get3A_147, %get3A_148, %get3A_149] : memref<4x4x2x2048xi32, #tpu.memory_space<vmem>>, vector<1x1x2x2048xi32>
      %get3A_151 = vector.shape_cast %get3A_150 : vector<1x1x2x2048xi32> to vector<2x2048xi32>
      %add3A_152 = arith.addi %get3A_145, %get3A_151 : vector<2x2048xi32>
      %get3A_153 = arith.constant 1 : index
      %get3A_154 = arith.constant 2 : index
      %get3A_155 = arith.constant 0 : index
      %get3A_156 = arith.constant 0 : index
      %get3A_157 = vector.load %arg2[%get3A_153, %get3A_154, %get3A_155, %get3A_156] : memref<4x4x2x2048xi32, #tpu.memory_space<vmem>>, vector<1x1x2x2048xi32>
      %get3A_158 = vector.shape_cast %get3A_157 : vector<1x1x2x2048xi32> to vector<2x2048xi32>
      %add3A_159 = arith.addi %add3A_152, %get3A_158 : vector<2x2048xi32>
      %get3A_160 = arith.constant 1 : index
      %get3A_161 = arith.constant 3 : index
      %get3A_162 = arith.constant 0 : index
      %get3A_163 = arith.constant 0 : index
      %get3A_164 = vector.load %arg2[%get3A_160, %get3A_161, %get3A_162, %get3A_163] : memref<4x4x2x2048xi32, #tpu.memory_space<vmem>>, vector<1x1x2x2048xi32>
      %get3A_165 = vector.shape_cast %get3A_164 : vector<1x1x2x2048xi32> to vector<2x2048xi32>
      %add3A_166 = arith.addi %add3A_159, %get3A_165 : vector<2x2048xi32>
      %get3A_167 = arith.constant 1 : index
      %get3A_168 = arith.constant 0 : index
      %get3A_169 = arith.constant 0 : index
      %get3A_170 = vector.load %arg3[%get3A_167, %get3A_168, %get3A_169] : memref<4x2048x128xf32, #tpu.memory_space<vmem>>, vector<1x2048x128xf32>
      %get3A_171 = vector.shape_cast %get3A_170 : vector<1x2048x128xf32> to vector<2048x128xf32>
      %slice3A_172 = vector.extract_strided_slice %get3A_171 {offsets = [0, 0], sizes = [1, 128], strides = [1, 1]} : vector<2048x128xf32> to vector<1x128xf32>
      %get3A_173 = arith.constant 0 : index
      %get3A_174 = arith.constant 0 : index
      %get3A_175 = vector.load %arg6[%get3A_173, %get3A_174] : memref<128x128xf32, #tpu.memory_space<vmem>>, vector<128x128xf32>
      %dot_general3A_176 = arith.constant dense<0.000000e+00> : vector<1x128xf32>
      %dot_general3A_177 = tpu.matmul %slice3A_172, %get3A_175, %dot_general3A_176 {dimension_numbers = #tpu.dot_dimension_numbers<[1], [0], [0], [1], [0, 0, 1, 1], [], []>, transpose_lhs_hint = false} : vector<1x128xf32>, vector<128x128xf32>, vector<1x128xf32> -> vector<1x128xf32>
      %slice3A_178 = vector.extract_strided_slice %add3A_166 {offsets = [0, 0], sizes = [1, 2048], strides = [1, 1]} : vector<2x2048xi32> to vector<1x2048xi32>
      %shift_right_logical3A_179 = arith.constant 0 : i32
      %shift_right_logical3A_180 = vector.broadcast %shift_right_logical3A_179 : i32 to vector<1x2048xi32>
      %shift_right_logical3A_181 = arith.shrui %slice3A_178, %shift_right_logical3A_180 : vector<1x2048xi32>
      %and3A_182 = arith.constant 65535 : i32
      %and3A_183 = vector.broadcast %and3A_182 : i32 to vector<1x2048xi32>
      %and3A_184 = arith.andi %shift_right_logical3A_181, %and3A_183 : vector<1x2048xi32>
      %slice3A_185 = vector.extract_strided_slice %add3A_166 {offsets = [1, 0], sizes = [1, 2048], strides = [1, 1]} : vector<2x2048xi32> to vector<1x2048xi32>
      %shift_right_logical3A_186 = arith.constant 0 : i32
      %shift_right_logical3A_187 = vector.broadcast %shift_right_logical3A_186 : i32 to vector<1x2048xi32>
      %shift_right_logical3A_188 = arith.shrui %slice3A_185, %shift_right_logical3A_187 : vector<1x2048xi32>
      %and3A_189 = arith.constant 65535 : i32
      %and3A_190 = vector.broadcast %and3A_189 : i32 to vector<1x2048xi32>
      %and3A_191 = arith.andi %shift_right_logical3A_188, %and3A_190 : vector<1x2048xi32>
      %convert_element_type3A_192 = arith.sitofp %and3A_184 : vector<1x2048xi32> to vector<1x2048xf32>
      %add3A_193 = arith.constant 1.000000e+00 : f32
      %add3A_194 = vector.broadcast %add3A_193 : f32 to vector<1x2048xf32>
      %add3A_195 = arith.addf %convert_element_type3A_192, %add3A_194 : vector<1x2048xf32>
      %convert_element_type3A_196 = arith.sitofp %and3A_191 : vector<1x2048xi32> to vector<1x2048xf32>
      %slice3A_197 = vector.extract_strided_slice %add3A_195 {offsets = [0, 0], sizes = [1, 1], strides = [1, 1]} : vector<1x2048xf32> to vector<1x1xf32>
      %mul3A_198 = vector.broadcast %slice3A_197 : vector<1x1xf32> to vector<1x2048xf32>
      %mul3A_199 = arith.mulf %add3A_195, %mul3A_198 : vector<1x2048xf32>
      %rsqrt3A_200 = math.rsqrt %mul3A_199 : vector<1x2048xf32>
      %mul3A_201 = arith.mulf %convert_element_type3A_196, %rsqrt3A_200 : vector<1x2048xf32>
      %dot_general3A_202 = arith.constant dense<0.000000e+00> : vector<1x128xf32>
      %dot_general3A_203 = tpu.matmul %mul3A_201, %get3A_171, %dot_general3A_202 {dimension_numbers = #tpu.dot_dimension_numbers<[1], [0], [0], [1], [0, 0, 1, 1], [], []>, transpose_lhs_hint = false} : vector<1x2048xf32>, vector<2048x128xf32>, vector<1x128xf32> -> vector<1x128xf32>
      %div3A_204 = vector.broadcast %slice3A_197 : vector<1x1xf32> to vector<1x128xf32>
      %div3A_205 = arith.divf %slice3A_172, %div3A_204 : vector<1x128xf32>
      %add3A_206 = arith.addf %dot_general3A_203, %div3A_205 : vector<1x128xf32>
      %get3A_207 = arith.constant 0 : index
      %get3A_208 = arith.constant 0 : index
      %get3A_209 = arith.constant 0 : index
      %get3A_210 = vector.load %arg5[%get3A_207, %get3A_208, %get3A_209] : memref<2x128x128xf32, #tpu.memory_space<vmem>>, vector<1x128x128xf32>
      %get3A_211 = vector.shape_cast %get3A_210 : vector<1x128x128xf32> to vector<128x128xf32>
      %dot_general3A_212 = arith.constant dense<0.000000e+00> : vector<1x128xf32>
      %dot_general3A_213 = tpu.matmul %add3A_206, %get3A_211, %dot_general3A_212 {dimension_numbers = #tpu.dot_dimension_numbers<[1], [0], [0], [1], [0, 0, 1, 1], [], []>, transpose_lhs_hint = false} : vector<1x128xf32>, vector<128x128xf32>, vector<1x128xf32> -> vector<1x128xf32>
      %add3A_214 = arith.addf %dot_general3A_177, %dot_general3A_213 : vector<1x128xf32>
      %slice3A_215 = vector.extract_strided_slice %add3A_166 {offsets = [0, 0], sizes = [1, 2048], strides = [1, 1]} : vector<2x2048xi32> to vector<1x2048xi32>
      %shift_right_logical3A_216 = arith.constant 16 : i32
      %shift_right_logical3A_217 = vector.broadcast %shift_right_logical3A_216 : i32 to vector<1x2048xi32>
      %shift_right_logical3A_218 = arith.shrui %slice3A_215, %shift_right_logical3A_217 : vector<1x2048xi32>
      %and3A_219 = arith.constant 65535 : i32
      %and3A_220 = vector.broadcast %and3A_219 : i32 to vector<1x2048xi32>
      %and3A_221 = arith.andi %shift_right_logical3A_218, %and3A_220 : vector<1x2048xi32>
      %slice3A_222 = vector.extract_strided_slice %add3A_166 {offsets = [1, 0], sizes = [1, 2048], strides = [1, 1]} : vector<2x2048xi32> to vector<1x2048xi32>
      %shift_right_logical3A_223 = arith.constant 16 : i32
      %shift_right_logical3A_224 = vector.broadcast %shift_right_logical3A_223 : i32 to vector<1x2048xi32>
      %shift_right_logical3A_225 = arith.shrui %slice3A_222, %shift_right_logical3A_224 : vector<1x2048xi32>
      %and3A_226 = arith.constant 65535 : i32
      %and3A_227 = vector.broadcast %and3A_226 : i32 to vector<1x2048xi32>
      %and3A_228 = arith.andi %shift_right_logical3A_225, %and3A_227 : vector<1x2048xi32>
      %convert_element_type3A_229 = arith.sitofp %and3A_221 : vector<1x2048xi32> to vector<1x2048xf32>
      %add3A_230 = arith.constant 1.000000e+00 : f32
      %add3A_231 = vector.broadcast %add3A_230 : f32 to vector<1x2048xf32>
      %add3A_232 = arith.addf %convert_element_type3A_229, %add3A_231 : vector<1x2048xf32>
      %convert_element_type3A_233 = arith.sitofp %and3A_228 : vector<1x2048xi32> to vector<1x2048xf32>
      %slice3A_234 = vector.extract_strided_slice %add3A_232 {offsets = [0, 0], sizes = [1, 1], strides = [1, 1]} : vector<1x2048xf32> to vector<1x1xf32>
      %mul3A_235 = vector.broadcast %slice3A_234 : vector<1x1xf32> to vector<1x2048xf32>
      %mul3A_236 = arith.mulf %add3A_232, %mul3A_235 : vector<1x2048xf32>
      %rsqrt3A_237 = math.rsqrt %mul3A_236 : vector<1x2048xf32>
      %mul3A_238 = arith.mulf %convert_element_type3A_233, %rsqrt3A_237 : vector<1x2048xf32>
      %dot_general3A_239 = arith.constant dense<0.000000e+00> : vector<1x128xf32>
      %dot_general3A_240 = tpu.matmul %mul3A_238, %get3A_171, %dot_general3A_239 {dimension_numbers = #tpu.dot_dimension_numbers<[1], [0], [0], [1], [0, 0, 1, 1], [], []>, transpose_lhs_hint = false} : vector<1x2048xf32>, vector<2048x128xf32>, vector<1x128xf32> -> vector<1x128xf32>
      %div3A_241 = vector.broadcast %slice3A_234 : vector<1x1xf32> to vector<1x128xf32>
      %div3A_242 = arith.divf %slice3A_172, %div3A_241 : vector<1x128xf32>
      %add3A_243 = arith.addf %dot_general3A_240, %div3A_242 : vector<1x128xf32>
      %get3A_244 = arith.constant 1 : index
      %get3A_245 = arith.constant 0 : index
      %get3A_246 = arith.constant 0 : index
      %get3A_247 = vector.load %arg5[%get3A_244, %get3A_245, %get3A_246] : memref<2x128x128xf32, #tpu.memory_space<vmem>>, vector<1x128x128xf32>
      %get3A_248 = vector.shape_cast %get3A_247 : vector<1x128x128xf32> to vector<128x128xf32>
      %dot_general3A_249 = arith.constant dense<0.000000e+00> : vector<1x128xf32>
      %dot_general3A_250 = tpu.matmul %add3A_243, %get3A_248, %dot_general3A_249 {dimension_numbers = #tpu.dot_dimension_numbers<[1], [0], [0], [1], [0, 0, 1, 1], [], []>, transpose_lhs_hint = false} : vector<1x128xf32>, vector<128x128xf32>, vector<1x128xf32> -> vector<1x128xf32>
      %add3A_251 = arith.addf %add3A_214, %dot_general3A_250 : vector<1x128xf32>
      %get3A_252 = arith.constant 1 : index
      %get3A_253 = arith.constant 0 : index
      %get3A_254 = vector.load %arg4[%get3A_252, %get3A_253] : memref<4x128xf32, #tpu.memory_space<vmem>>, vector<1x128xf32>
      %get3A_255 = arith.constant 0 : index
      %get3A_256 = arith.constant 0 : index
      %get3A_257 = vector.load %arg7[%get3A_255, %get3A_256] : memref<128x128xf32, #tpu.memory_space<vmem>>, vector<128x128xf32>
      %dot_general3A_258 = arith.constant dense<0.000000e+00> : vector<1x128xf32>
      %dot_general3A_259 = tpu.matmul %add3A_137, %get3A_257, %dot_general3A_258 {dimension_numbers = #tpu.dot_dimension_numbers<[1], [0], [0], [1], [0, 0, 1, 1], [], []>, transpose_lhs_hint = false} : vector<1x128xf32>, vector<128x128xf32>, vector<1x128xf32> -> vector<1x128xf32>
      %add3A_260 = arith.addf %get3A_254, %dot_general3A_259 : vector<1x128xf32>
      %logistic3A_261 = arith.negf %add3A_260 : vector<1x128xf32>
      %logistic3A_262 = math.exp %logistic3A_261 : vector<1x128xf32>
      %logistic3A_263 = arith.constant 1.000000e+00 : f32
      %logistic3A_264 = vector.broadcast %logistic3A_263 : f32 to vector<1x128xf32>
      %logistic3A_265 = arith.addf %logistic3A_264, %logistic3A_262 : vector<1x128xf32>
      %logistic3A_266 = arith.divf %logistic3A_264, %logistic3A_265 : vector<1x128xf32>
      %mul3A_267 = arith.mulf %logistic3A_266, %add3A_251 : vector<1x128xf32>
      %sub3A_268 = arith.constant 1.000000e+00 : f32
      %sub3A_269 = vector.broadcast %sub3A_268 : f32 to vector<1x128xf32>
      %sub3A_270 = arith.subf %sub3A_269, %logistic3A_266 : vector<1x128xf32>
      %mul3A_271 = arith.mulf %sub3A_270, %add3A_137 : vector<1x128xf32>
      %add3A_272 = arith.addf %mul3A_267, %mul3A_271 : vector<1x128xf32>
      %max3A_273 = arith.constant 0.000000e+00 : f32
      %max3A_274 = vector.broadcast %max3A_273 : f32 to vector<1x128xf32>
      %max3A_275 = arith.maximumf %add3A_272, %max3A_274 : vector<1x128xf32>
      %get3A_276 = arith.constant 2 : index
      %get3A_277 = arith.constant 0 : index
      %get3A_278 = arith.constant 0 : index
      %get3A_279 = arith.constant 0 : index
      %get3A_280 = vector.load %arg2[%get3A_276, %get3A_277, %get3A_278, %get3A_279] : memref<4x4x2x2048xi32, #tpu.memory_space<vmem>>, vector<1x1x2x2048xi32>
      %get3A_281 = vector.shape_cast %get3A_280 : vector<1x1x2x2048xi32> to vector<2x2048xi32>
      %get3A_282 = arith.constant 2 : index
      %get3A_283 = arith.constant 1 : index
      %get3A_284 = arith.constant 0 : index
      %get3A_285 = arith.constant 0 : index
      %get3A_286 = vector.load %arg2[%get3A_282, %get3A_283, %get3A_284, %get3A_285] : memref<4x4x2x2048xi32, #tpu.memory_space<vmem>>, vector<1x1x2x2048xi32>
      %get3A_287 = vector.shape_cast %get3A_286 : vector<1x1x2x2048xi32> to vector<2x2048xi32>
      %add3A_288 = arith.addi %get3A_281, %get3A_287 : vector<2x2048xi32>
      %get3A_289 = arith.constant 2 : index
      %get3A_290 = arith.constant 2 : index
      %get3A_291 = arith.constant 0 : index
      %get3A_292 = arith.constant 0 : index
      %get3A_293 = vector.load %arg2[%get3A_289, %get3A_290, %get3A_291, %get3A_292] : memref<4x4x2x2048xi32, #tpu.memory_space<vmem>>, vector<1x1x2x2048xi32>
      %get3A_294 = vector.shape_cast %get3A_293 : vector<1x1x2x2048xi32> to vector<2x2048xi32>
      %add3A_295 = arith.addi %add3A_288, %get3A_294 : vector<2x2048xi32>
      %get3A_296 = arith.constant 2 : index
      %get3A_297 = arith.constant 3 : index
      %get3A_298 = arith.constant 0 : index
      %get3A_299 = arith.constant 0 : index
      %get3A_300 = vector.load %arg2[%get3A_296, %get3A_297, %get3A_298, %get3A_299] : memref<4x4x2x2048xi32, #tpu.memory_space<vmem>>, vector<1x1x2x2048xi32>
      %get3A_301 = vector.shape_cast %get3A_300 : vector<1x1x2x2048xi32> to vector<2x2048xi32>
      %add3A_302 = arith.addi %add3A_295, %get3A_301 : vector<2x2048xi32>
      %get3A_303 = arith.constant 2 : index
      %get3A_304 = arith.constant 0 : index
      %get3A_305 = arith.constant 0 : index
      %get3A_306 = vector.load %arg3[%get3A_303, %get3A_304, %get3A_305] : memref<4x2048x128xf32, #tpu.memory_space<vmem>>, vector<1x2048x128xf32>
      %get3A_307 = vector.shape_cast %get3A_306 : vector<1x2048x128xf32> to vector<2048x128xf32>
      %slice3A_308 = vector.extract_strided_slice %get3A_307 {offsets = [0, 0], sizes = [1, 128], strides = [1, 1]} : vector<2048x128xf32> to vector<1x128xf32>
      %get3A_309 = arith.constant 0 : index
      %get3A_310 = arith.constant 0 : index
      %get3A_311 = vector.load %arg6[%get3A_309, %get3A_310] : memref<128x128xf32, #tpu.memory_space<vmem>>, vector<128x128xf32>
      %dot_general3A_312 = arith.constant dense<0.000000e+00> : vector<1x128xf32>
      %dot_general3A_313 = tpu.matmul %slice3A_308, %get3A_311, %dot_general3A_312 {dimension_numbers = #tpu.dot_dimension_numbers<[1], [0], [0], [1], [0, 0, 1, 1], [], []>, transpose_lhs_hint = false} : vector<1x128xf32>, vector<128x128xf32>, vector<1x128xf32> -> vector<1x128xf32>
      %slice3A_314 = vector.extract_strided_slice %add3A_302 {offsets = [0, 0], sizes = [1, 2048], strides = [1, 1]} : vector<2x2048xi32> to vector<1x2048xi32>
      %shift_right_logical3A_315 = arith.constant 0 : i32
      %shift_right_logical3A_316 = vector.broadcast %shift_right_logical3A_315 : i32 to vector<1x2048xi32>
      %shift_right_logical3A_317 = arith.shrui %slice3A_314, %shift_right_logical3A_316 : vector<1x2048xi32>
      %and3A_318 = arith.constant 65535 : i32
      %and3A_319 = vector.broadcast %and3A_318 : i32 to vector<1x2048xi32>
      %and3A_320 = arith.andi %shift_right_logical3A_317, %and3A_319 : vector<1x2048xi32>
      %slice3A_321 = vector.extract_strided_slice %add3A_302 {offsets = [1, 0], sizes = [1, 2048], strides = [1, 1]} : vector<2x2048xi32> to vector<1x2048xi32>
      %shift_right_logical3A_322 = arith.constant 0 : i32
      %shift_right_logical3A_323 = vector.broadcast %shift_right_logical3A_322 : i32 to vector<1x2048xi32>
      %shift_right_logical3A_324 = arith.shrui %slice3A_321, %shift_right_logical3A_323 : vector<1x2048xi32>
      %and3A_325 = arith.constant 65535 : i32
      %and3A_326 = vector.broadcast %and3A_325 : i32 to vector<1x2048xi32>
      %and3A_327 = arith.andi %shift_right_logical3A_324, %and3A_326 : vector<1x2048xi32>
      %convert_element_type3A_328 = arith.sitofp %and3A_320 : vector<1x2048xi32> to vector<1x2048xf32>
      %add3A_329 = arith.constant 1.000000e+00 : f32
      %add3A_330 = vector.broadcast %add3A_329 : f32 to vector<1x2048xf32>
      %add3A_331 = arith.addf %convert_element_type3A_328, %add3A_330 : vector<1x2048xf32>
      %convert_element_type3A_332 = arith.sitofp %and3A_327 : vector<1x2048xi32> to vector<1x2048xf32>
      %slice3A_333 = vector.extract_strided_slice %add3A_331 {offsets = [0, 0], sizes = [1, 1], strides = [1, 1]} : vector<1x2048xf32> to vector<1x1xf32>
      %mul3A_334 = vector.broadcast %slice3A_333 : vector<1x1xf32> to vector<1x2048xf32>
      %mul3A_335 = arith.mulf %add3A_331, %mul3A_334 : vector<1x2048xf32>
      %rsqrt3A_336 = math.rsqrt %mul3A_335 : vector<1x2048xf32>
      %mul3A_337 = arith.mulf %convert_element_type3A_332, %rsqrt3A_336 : vector<1x2048xf32>
      %dot_general3A_338 = arith.constant dense<0.000000e+00> : vector<1x128xf32>
      %dot_general3A_339 = tpu.matmul %mul3A_337, %get3A_307, %dot_general3A_338 {dimension_numbers = #tpu.dot_dimension_numbers<[1], [0], [0], [1], [0, 0, 1, 1], [], []>, transpose_lhs_hint = false} : vector<1x2048xf32>, vector<2048x128xf32>, vector<1x128xf32> -> vector<1x128xf32>
      %div3A_340 = vector.broadcast %slice3A_333 : vector<1x1xf32> to vector<1x128xf32>
      %div3A_341 = arith.divf %slice3A_308, %div3A_340 : vector<1x128xf32>
      %add3A_342 = arith.addf %dot_general3A_339, %div3A_341 : vector<1x128xf32>
      %get3A_343 = arith.constant 0 : index
      %get3A_344 = arith.constant 0 : index
      %get3A_345 = arith.constant 0 : index
      %get3A_346 = vector.load %arg5[%get3A_343, %get3A_344, %get3A_345] : memref<2x128x128xf32, #tpu.memory_space<vmem>>, vector<1x128x128xf32>
      %get3A_347 = vector.shape_cast %get3A_346 : vector<1x128x128xf32> to vector<128x128xf32>
      %dot_general3A_348 = arith.constant dense<0.000000e+00> : vector<1x128xf32>
      %dot_general3A_349 = tpu.matmul %add3A_342, %get3A_347, %dot_general3A_348 {dimension_numbers = #tpu.dot_dimension_numbers<[1], [0], [0], [1], [0, 0, 1, 1], [], []>, transpose_lhs_hint = false} : vector<1x128xf32>, vector<128x128xf32>, vector<1x128xf32> -> vector<1x128xf32>
      %add3A_350 = arith.addf %dot_general3A_313, %dot_general3A_349 : vector<1x128xf32>
      %slice3A_351 = vector.extract_strided_slice %add3A_302 {offsets = [0, 0], sizes = [1, 2048], strides = [1, 1]} : vector<2x2048xi32> to vector<1x2048xi32>
      %shift_right_logical3A_352 = arith.constant 16 : i32
      %shift_right_logical3A_353 = vector.broadcast %shift_right_logical3A_352 : i32 to vector<1x2048xi32>
      %shift_right_logical3A_354 = arith.shrui %slice3A_351, %shift_right_logical3A_353 : vector<1x2048xi32>
      %and3A_355 = arith.constant 65535 : i32
      %and3A_356 = vector.broadcast %and3A_355 : i32 to vector<1x2048xi32>
      %and3A_357 = arith.andi %shift_right_logical3A_354, %and3A_356 : vector<1x2048xi32>
      %slice3A_358 = vector.extract_strided_slice %add3A_302 {offsets = [1, 0], sizes = [1, 2048], strides = [1, 1]} : vector<2x2048xi32> to vector<1x2048xi32>
      %shift_right_logical3A_359 = arith.constant 16 : i32
      %shift_right_logical3A_360 = vector.broadcast %shift_right_logical3A_359 : i32 to vector<1x2048xi32>
      %shift_right_logical3A_361 = arith.shrui %slice3A_358, %shift_right_logical3A_360 : vector<1x2048xi32>
      %and3A_362 = arith.constant 65535 : i32
      %and3A_363 = vector.broadcast %and3A_362 : i32 to vector<1x2048xi32>
      %and3A_364 = arith.andi %shift_right_logical3A_361, %and3A_363 : vector<1x2048xi32>
      %convert_element_type3A_365 = arith.sitofp %and3A_357 : vector<1x2048xi32> to vector<1x2048xf32>
      %add3A_366 = arith.constant 1.000000e+00 : f32
      %add3A_367 = vector.broadcast %add3A_366 : f32 to vector<1x2048xf32>
      %add3A_368 = arith.addf %convert_element_type3A_365, %add3A_367 : vector<1x2048xf32>
      %convert_element_type3A_369 = arith.sitofp %and3A_364 : vector<1x2048xi32> to vector<1x2048xf32>
      %slice3A_370 = vector.extract_strided_slice %add3A_368 {offsets = [0, 0], sizes = [1, 1], strides = [1, 1]} : vector<1x2048xf32> to vector<1x1xf32>
      %mul3A_371 = vector.broadcast %slice3A_370 : vector<1x1xf32> to vector<1x2048xf32>
      %mul3A_372 = arith.mulf %add3A_368, %mul3A_371 : vector<1x2048xf32>
      %rsqrt3A_373 = math.rsqrt %mul3A_372 : vector<1x2048xf32>
      %mul3A_374 = arith.mulf %convert_element_type3A_369, %rsqrt3A_373 : vector<1x2048xf32>
      %dot_general3A_375 = arith.constant dense<0.000000e+00> : vector<1x128xf32>
      %dot_general3A_376 = tpu.matmul %mul3A_374, %get3A_307, %dot_general3A_375 {dimension_numbers = #tpu.dot_dimension_numbers<[1], [0], [0], [1], [0, 0, 1, 1], [], []>, transpose_lhs_hint = false} : vector<1x2048xf32>, vector<2048x128xf32>, vector<1x128xf32> -> vector<1x128xf32>
      %div3A_377 = vector.broadcast %slice3A_370 : vector<1x1xf32> to vector<1x128xf32>
      %div3A_378 = arith.divf %slice3A_308, %div3A_377 : vector<1x128xf32>
      %add3A_379 = arith.addf %dot_general3A_376, %div3A_378 : vector<1x128xf32>
      %get3A_380 = arith.constant 1 : index
      %get3A_381 = arith.constant 0 : index
      %get3A_382 = arith.constant 0 : index
      %get3A_383 = vector.load %arg5[%get3A_380, %get3A_381, %get3A_382] : memref<2x128x128xf32, #tpu.memory_space<vmem>>, vector<1x128x128xf32>
      %get3A_384 = vector.shape_cast %get3A_383 : vector<1x128x128xf32> to vector<128x128xf32>
      %dot_general3A_385 = arith.constant dense<0.000000e+00> : vector<1x128xf32>
      %dot_general3A_386 = tpu.matmul %add3A_379, %get3A_384, %dot_general3A_385 {dimension_numbers = #tpu.dot_dimension_numbers<[1], [0], [0], [1], [0, 0, 1, 1], [], []>, transpose_lhs_hint = false} : vector<1x128xf32>, vector<128x128xf32>, vector<1x128xf32> -> vector<1x128xf32>
      %add3A_387 = arith.addf %add3A_350, %dot_general3A_386 : vector<1x128xf32>
      %get3A_388 = arith.constant 2 : index
      %get3A_389 = arith.constant 0 : index
      %get3A_390 = vector.load %arg4[%get3A_388, %get3A_389] : memref<4x128xf32, #tpu.memory_space<vmem>>, vector<1x128xf32>
      %get3A_391 = arith.constant 0 : index
      %get3A_392 = arith.constant 0 : index
      %get3A_393 = vector.load %arg7[%get3A_391, %get3A_392] : memref<128x128xf32, #tpu.memory_space<vmem>>, vector<128x128xf32>
      %dot_general3A_394 = arith.constant dense<0.000000e+00> : vector<1x128xf32>
      %dot_general3A_395 = tpu.matmul %add3A_272, %get3A_393, %dot_general3A_394 {dimension_numbers = #tpu.dot_dimension_numbers<[1], [0], [0], [1], [0, 0, 1, 1], [], []>, transpose_lhs_hint = false} : vector<1x128xf32>, vector<128x128xf32>, vector<1x128xf32> -> vector<1x128xf32>
      %add3A_396 = arith.addf %get3A_390, %dot_general3A_395 : vector<1x128xf32>
      %logistic3A_397 = arith.negf %add3A_396 : vector<1x128xf32>
      %logistic3A_398 = math.exp %logistic3A_397 : vector<1x128xf32>
      %logistic3A_399 = arith.constant 1.000000e+00 : f32
      %logistic3A_400 = vector.broadcast %logistic3A_399 : f32 to vector<1x128xf32>
      %logistic3A_401 = arith.addf %logistic3A_400, %logistic3A_398 : vector<1x128xf32>
      %logistic3A_402 = arith.divf %logistic3A_400, %logistic3A_401 : vector<1x128xf32>
      %mul3A_403 = arith.mulf %logistic3A_402, %add3A_387 : vector<1x128xf32>
      %sub3A_404 = arith.constant 1.000000e+00 : f32
      %sub3A_405 = vector.broadcast %sub3A_404 : f32 to vector<1x128xf32>
      %sub3A_406 = arith.subf %sub3A_405, %logistic3A_402 : vector<1x128xf32>
      %mul3A_407 = arith.mulf %sub3A_406, %add3A_272 : vector<1x128xf32>
      %add3A_408 = arith.addf %mul3A_403, %mul3A_407 : vector<1x128xf32>
      %max3A_409 = arith.constant 0.000000e+00 : f32
      %max3A_410 = vector.broadcast %max3A_409 : f32 to vector<1x128xf32>
      %max3A_411 = arith.maximumf %add3A_408, %max3A_410 : vector<1x128xf32>
      %get3A_412 = arith.constant 3 : index
      %get3A_413 = arith.constant 0 : index
      %get3A_414 = arith.constant 0 : index
      %get3A_415 = arith.constant 0 : index
      %get3A_416 = vector.load %arg2[%get3A_412, %get3A_413, %get3A_414, %get3A_415] : memref<4x4x2x2048xi32, #tpu.memory_space<vmem>>, vector<1x1x2x2048xi32>
      %get3A_417 = vector.shape_cast %get3A_416 : vector<1x1x2x2048xi32> to vector<2x2048xi32>
      %get3A_418 = arith.constant 3 : index
      %get3A_419 = arith.constant 1 : index
      %get3A_420 = arith.constant 0 : index
      %get3A_421 = arith.constant 0 : index
      %get3A_422 = vector.load %arg2[%get3A_418, %get3A_419, %get3A_420, %get3A_421] : memref<4x4x2x2048xi32, #tpu.memory_space<vmem>>, vector<1x1x2x2048xi32>
      %get3A_423 = vector.shape_cast %get3A_422 : vector<1x1x2x2048xi32> to vector<2x2048xi32>
      %add3A_424 = arith.addi %get3A_417, %get3A_423 : vector<2x2048xi32>
      %get3A_425 = arith.constant 3 : index
      %get3A_426 = arith.constant 2 : index
      %get3A_427 = arith.constant 0 : index
      %get3A_428 = arith.constant 0 : index
      %get3A_429 = vector.load %arg2[%get3A_425, %get3A_426, %get3A_427, %get3A_428] : memref<4x4x2x2048xi32, #tpu.memory_space<vmem>>, vector<1x1x2x2048xi32>
      %get3A_430 = vector.shape_cast %get3A_429 : vector<1x1x2x2048xi32> to vector<2x2048xi32>
      %add3A_431 = arith.addi %add3A_424, %get3A_430 : vector<2x2048xi32>
      %get3A_432 = arith.constant 3 : index
      %get3A_433 = arith.constant 3 : index
      %get3A_434 = arith.constant 0 : index
      %get3A_435 = arith.constant 0 : index
      %get3A_436 = vector.load %arg2[%get3A_432, %get3A_433, %get3A_434, %get3A_435] : memref<4x4x2x2048xi32, #tpu.memory_space<vmem>>, vector<1x1x2x2048xi32>
      %get3A_437 = vector.shape_cast %get3A_436 : vector<1x1x2x2048xi32> to vector<2x2048xi32>
      %add3A_438 = arith.addi %add3A_431, %get3A_437 : vector<2x2048xi32>
      %get3A_439 = arith.constant 3 : index
      %get3A_440 = arith.constant 0 : index
      %get3A_441 = arith.constant 0 : index
      %get3A_442 = vector.load %arg3[%get3A_439, %get3A_440, %get3A_441] : memref<4x2048x128xf32, #tpu.memory_space<vmem>>, vector<1x2048x128xf32>
      %get3A_443 = vector.shape_cast %get3A_442 : vector<1x2048x128xf32> to vector<2048x128xf32>
      %slice3A_444 = vector.extract_strided_slice %get3A_443 {offsets = [0, 0], sizes = [1, 128], strides = [1, 1]} : vector<2048x128xf32> to vector<1x128xf32>
      %get3A_445 = arith.constant 0 : index
      %get3A_446 = arith.constant 0 : index
      %get3A_447 = vector.load %arg6[%get3A_445, %get3A_446] : memref<128x128xf32, #tpu.memory_space<vmem>>, vector<128x128xf32>
      %dot_general3A_448 = arith.constant dense<0.000000e+00> : vector<1x128xf32>
      %dot_general3A_449 = tpu.matmul %slice3A_444, %get3A_447, %dot_general3A_448 {dimension_numbers = #tpu.dot_dimension_numbers<[1], [0], [0], [1], [0, 0, 1, 1], [], []>, transpose_lhs_hint = false} : vector<1x128xf32>, vector<128x128xf32>, vector<1x128xf32> -> vector<1x128xf32>
      %slice3A_450 = vector.extract_strided_slice %add3A_438 {offsets = [0, 0], sizes = [1, 2048], strides = [1, 1]} : vector<2x2048xi32> to vector<1x2048xi32>
      %shift_right_logical3A_451 = arith.constant 0 : i32
      %shift_right_logical3A_452 = vector.broadcast %shift_right_logical3A_451 : i32 to vector<1x2048xi32>
      %shift_right_logical3A_453 = arith.shrui %slice3A_450, %shift_right_logical3A_452 : vector<1x2048xi32>
      %and3A_454 = arith.constant 65535 : i32
      %and3A_455 = vector.broadcast %and3A_454 : i32 to vector<1x2048xi32>
      %and3A_456 = arith.andi %shift_right_logical3A_453, %and3A_455 : vector<1x2048xi32>
      %slice3A_457 = vector.extract_strided_slice %add3A_438 {offsets = [1, 0], sizes = [1, 2048], strides = [1, 1]} : vector<2x2048xi32> to vector<1x2048xi32>
      %shift_right_logical3A_458 = arith.constant 0 : i32
      %shift_right_logical3A_459 = vector.broadcast %shift_right_logical3A_458 : i32 to vector<1x2048xi32>
      %shift_right_logical3A_460 = arith.shrui %slice3A_457, %shift_right_logical3A_459 : vector<1x2048xi32>
      %and3A_461 = arith.constant 65535 : i32
      %and3A_462 = vector.broadcast %and3A_461 : i32 to vector<1x2048xi32>
      %and3A_463 = arith.andi %shift_right_logical3A_460, %and3A_462 : vector<1x2048xi32>
      %convert_element_type3A_464 = arith.sitofp %and3A_456 : vector<1x2048xi32> to vector<1x2048xf32>
      %add3A_465 = arith.constant 1.000000e+00 : f32
      %add3A_466 = vector.broadcast %add3A_465 : f32 to vector<1x2048xf32>
      %add3A_467 = arith.addf %convert_element_type3A_464, %add3A_466 : vector<1x2048xf32>
      %convert_element_type3A_468 = arith.sitofp %and3A_463 : vector<1x2048xi32> to vector<1x2048xf32>
      %slice3A_469 = vector.extract_strided_slice %add3A_467 {offsets = [0, 0], sizes = [1, 1], strides = [1, 1]} : vector<1x2048xf32> to vector<1x1xf32>
      %mul3A_470 = vector.broadcast %slice3A_469 : vector<1x1xf32> to vector<1x2048xf32>
      %mul3A_471 = arith.mulf %add3A_467, %mul3A_470 : vector<1x2048xf32>
      %rsqrt3A_472 = math.rsqrt %mul3A_471 : vector<1x2048xf32>
      %mul3A_473 = arith.mulf %convert_element_type3A_468, %rsqrt3A_472 : vector<1x2048xf32>
      %dot_general3A_474 = arith.constant dense<0.000000e+00> : vector<1x128xf32>
      %dot_general3A_475 = tpu.matmul %mul3A_473, %get3A_443, %dot_general3A_474 {dimension_numbers = #tpu.dot_dimension_numbers<[1], [0], [0], [1], [0, 0, 1, 1], [], []>, transpose_lhs_hint = false} : vector<1x2048xf32>, vector<2048x128xf32>, vector<1x128xf32> -> vector<1x128xf32>
      %div3A_476 = vector.broadcast %slice3A_469 : vector<1x1xf32> to vector<1x128xf32>
      %div3A_477 = arith.divf %slice3A_444, %div3A_476 : vector<1x128xf32>
      %add3A_478 = arith.addf %dot_general3A_475, %div3A_477 : vector<1x128xf32>
      %get3A_479 = arith.constant 0 : index
      %get3A_480 = arith.constant 0 : index
      %get3A_481 = arith.constant 0 : index
      %get3A_482 = vector.load %arg5[%get3A_479, %get3A_480, %get3A_481] : memref<2x128x128xf32, #tpu.memory_space<vmem>>, vector<1x128x128xf32>
      %get3A_483 = vector.shape_cast %get3A_482 : vector<1x128x128xf32> to vector<128x128xf32>
      %dot_general3A_484 = arith.constant dense<0.000000e+00> : vector<1x128xf32>
      %dot_general3A_485 = tpu.matmul %add3A_478, %get3A_483, %dot_general3A_484 {dimension_numbers = #tpu.dot_dimension_numbers<[1], [0], [0], [1], [0, 0, 1, 1], [], []>, transpose_lhs_hint = false} : vector<1x128xf32>, vector<128x128xf32>, vector<1x128xf32> -> vector<1x128xf32>
      %add3A_486 = arith.addf %dot_general3A_449, %dot_general3A_485 : vector<1x128xf32>
      %slice3A_487 = vector.extract_strided_slice %add3A_438 {offsets = [0, 0], sizes = [1, 2048], strides = [1, 1]} : vector<2x2048xi32> to vector<1x2048xi32>
      %shift_right_logical3A_488 = arith.constant 16 : i32
      %shift_right_logical3A_489 = vector.broadcast %shift_right_logical3A_488 : i32 to vector<1x2048xi32>
      %shift_right_logical3A_490 = arith.shrui %slice3A_487, %shift_right_logical3A_489 : vector<1x2048xi32>
      %and3A_491 = arith.constant 65535 : i32
      %and3A_492 = vector.broadcast %and3A_491 : i32 to vector<1x2048xi32>
      %and3A_493 = arith.andi %shift_right_logical3A_490, %and3A_492 : vector<1x2048xi32>
      %slice3A_494 = vector.extract_strided_slice %add3A_438 {offsets = [1, 0], sizes = [1, 2048], strides = [1, 1]} : vector<2x2048xi32> to vector<1x2048xi32>
      %shift_right_logical3A_495 = arith.constant 16 : i32
      %shift_right_logical3A_496 = vector.broadcast %shift_right_logical3A_495 : i32 to vector<1x2048xi32>
      %shift_right_logical3A_497 = arith.shrui %slice3A_494, %shift_right_logical3A_496 : vector<1x2048xi32>
      %and3A_498 = arith.constant 65535 : i32
      %and3A_499 = vector.broadcast %and3A_498 : i32 to vector<1x2048xi32>
      %and3A_500 = arith.andi %shift_right_logical3A_497, %and3A_499 : vector<1x2048xi32>
      %convert_element_type3A_501 = arith.sitofp %and3A_493 : vector<1x2048xi32> to vector<1x2048xf32>
      %add3A_502 = arith.constant 1.000000e+00 : f32
      %add3A_503 = vector.broadcast %add3A_502 : f32 to vector<1x2048xf32>
      %add3A_504 = arith.addf %convert_element_type3A_501, %add3A_503 : vector<1x2048xf32>
      %convert_element_type3A_505 = arith.sitofp %and3A_500 : vector<1x2048xi32> to vector<1x2048xf32>
      %slice3A_506 = vector.extract_strided_slice %add3A_504 {offsets = [0, 0], sizes = [1, 1], strides = [1, 1]} : vector<1x2048xf32> to vector<1x1xf32>
      %mul3A_507 = vector.broadcast %slice3A_506 : vector<1x1xf32> to vector<1x2048xf32>
      %mul3A_508 = arith.mulf %add3A_504, %mul3A_507 : vector<1x2048xf32>
      %rsqrt3A_509 = math.rsqrt %mul3A_508 : vector<1x2048xf32>
      %mul3A_510 = arith.mulf %convert_element_type3A_505, %rsqrt3A_509 : vector<1x2048xf32>
      %dot_general3A_511 = arith.constant dense<0.000000e+00> : vector<1x128xf32>
      %dot_general3A_512 = tpu.matmul %mul3A_510, %get3A_443, %dot_general3A_511 {dimension_numbers = #tpu.dot_dimension_numbers<[1], [0], [0], [1], [0, 0, 1, 1], [], []>, transpose_lhs_hint = false} : vector<1x2048xf32>, vector<2048x128xf32>, vector<1x128xf32> -> vector<1x128xf32>
      %div3A_513 = vector.broadcast %slice3A_506 : vector<1x1xf32> to vector<1x128xf32>
      %div3A_514 = arith.divf %slice3A_444, %div3A_513 : vector<1x128xf32>
      %add3A_515 = arith.addf %dot_general3A_512, %div3A_514 : vector<1x128xf32>
      %get3A_516 = arith.constant 1 : index
      %get3A_517 = arith.constant 0 : index
      %get3A_518 = arith.constant 0 : index
      %get3A_519 = vector.load %arg5[%get3A_516, %get3A_517, %get3A_518] : memref<2x128x128xf32, #tpu.memory_space<vmem>>, vector<1x128x128xf32>
      %get3A_520 = vector.shape_cast %get3A_519 : vector<1x128x128xf32> to vector<128x128xf32>
      %dot_general3A_521 = arith.constant dense<0.000000e+00> : vector<1x128xf32>
      %dot_general3A_522 = tpu.matmul %add3A_515, %get3A_520, %dot_general3A_521 {dimension_numbers = #tpu.dot_dimension_numbers<[1], [0], [0], [1], [0, 0, 1, 1], [], []>, transpose_lhs_hint = false} : vector<1x128xf32>, vector<128x128xf32>, vector<1x128xf32> -> vector<1x128xf32>
      %add3A_523 = arith.addf %add3A_486, %dot_general3A_522 : vector<1x128xf32>
      %get3A_524 = arith.constant 3 : index
      %get3A_525 = arith.constant 0 : index
      %get3A_526 = vector.load %arg4[%get3A_524, %get3A_525] : memref<4x128xf32, #tpu.memory_space<vmem>>, vector<1x128xf32>
      %get3A_527 = arith.constant 0 : index
      %get3A_528 = arith.constant 0 : index
      %get3A_529 = vector.load %arg7[%get3A_527, %get3A_528] : memref<128x128xf32, #tpu.memory_space<vmem>>, vector<128x128xf32>
      %dot_general3A_530 = arith.constant dense<0.000000e+00> : vector<1x128xf32>
      %dot_general3A_531 = tpu.matmul %add3A_408, %get3A_529, %dot_general3A_530 {dimension_numbers = #tpu.dot_dimension_numbers<[1], [0], [0], [1], [0, 0, 1, 1], [], []>, transpose_lhs_hint = false} : vector<1x128xf32>, vector<128x128xf32>, vector<1x128xf32> -> vector<1x128xf32>
      %add3A_532 = arith.addf %get3A_526, %dot_general3A_531 : vector<1x128xf32>
      %logistic3A_533 = arith.negf %add3A_532 : vector<1x128xf32>
      %logistic3A_534 = math.exp %logistic3A_533 : vector<1x128xf32>
      %logistic3A_535 = arith.constant 1.000000e+00 : f32
      %logistic3A_536 = vector.broadcast %logistic3A_535 : f32 to vector<1x128xf32>
      %logistic3A_537 = arith.addf %logistic3A_536, %logistic3A_534 : vector<1x128xf32>
      %logistic3A_538 = arith.divf %logistic3A_536, %logistic3A_537 : vector<1x128xf32>
      %mul3A_539 = arith.mulf %logistic3A_538, %add3A_523 : vector<1x128xf32>
      %sub3A_540 = arith.constant 1.000000e+00 : f32
      %sub3A_541 = vector.broadcast %sub3A_540 : f32 to vector<1x128xf32>
      %sub3A_542 = arith.subf %sub3A_541, %logistic3A_538 : vector<1x128xf32>
      %mul3A_543 = arith.mulf %sub3A_542, %add3A_408 : vector<1x128xf32>
      %add3A_544 = arith.addf %mul3A_539, %mul3A_543 : vector<1x128xf32>
      %max3A_545 = arith.constant 0.000000e+00 : f32
      %max3A_546 = vector.broadcast %max3A_545 : f32 to vector<1x128xf32>
      %max3A_547 = arith.maximumf %add3A_544, %max3A_546 : vector<1x128xf32>
      %concatenate3A = tpu.concatenate %max3A_139, %max3A_275, %max3A_411, %max3A_547 in 0 : vector<1x128xf32>, vector<1x128xf32>, vector<1x128xf32>, vector<1x128xf32> -> vector<4x128xf32>
      %swap3A = arith.constant 0 : index
      %swap3A_548 = arith.constant 0 : index
      %swap3A_549 = vector.load %arg14[%swap3A, %swap3A_548] : memref<4x128xf32, #tpu.memory_space<vmem>>, vector<4x128xf32>
      tpu.vector_store %arg14[%swap3A, %swap3A_548], %concatenate3A {strides = array<i32>} : memref<4x128xf32, #tpu.memory_space<vmem>>, vector<4x128xf32>,
      %get3A_550 = arith.constant 0 : index
      %get3A_551 = arith.constant 0 : index
      %get3A_552 = vector.load %arg8[%get3A_550, %get3A_551] : memref<2000x128xf32, #tpu.memory_space<vmem>>, vector<2000x128xf32>
      %dot_general3A_553 = arith.constant dense<0.000000e+00> : vector<4x2000xf32>
      %dot_general3A_554 = tpu.matmul %concatenate3A, %get3A_552, %dot_general3A_553 {dimension_numbers = #tpu.dot_dimension_numbers<[1], [1], [0], [0], [0, 0, 1, 0], [], []>, transpose_lhs_hint = false} : vector<4x128xf32>, vector<2000x128xf32>, vector<4x2000xf32> -> vector<4x2000xf32>
      %get3A_555 = arith.constant 0 : index
      %get3A_556 = arith.constant 0 : index
      %get3A_557 = vector.load %arg9[%get3A_555, %get3A_556] : memref<1x2000xf32, #tpu.memory_space<vmem>>, vector<1x2000xf32>
      %add3A_558 = vector.broadcast %get3A_557 : vector<1x2000xf32> to vector<4x2000xf32>
      %add3A_559 = arith.addf %dot_general3A_554, %add3A_558 : vector<4x2000xf32>
      %reduce_max3A = arith.constant dense<0xFF800000> : vector<4xf32>
      %reduce_max3A_560 = vector.multi_reduction <maximumf>, %add3A_559, %reduce_max3A [1] : vector<4x2000xf32> to vector<4xf32>
      %broadcast_in_dim3A_561 = vector.shape_cast %reduce_max3A_560 : vector<4xf32> to vector<4x1xf32>
      %sub3A_562 = vector.broadcast %broadcast_in_dim3A_561 : vector<4x1xf32> to vector<4x2000xf32>
      %sub3A_563 = arith.subf %add3A_559, %sub3A_562 : vector<4x2000xf32>
      %exp3A = math.exp %sub3A_563 : vector<4x2000xf32>
      %reduce_sum3A = arith.constant dense<0.000000e+00> : vector<4xf32>
      %reduce_sum3A_564 = vector.multi_reduction <add>, %exp3A, %reduce_sum3A [1] : vector<4x2000xf32> to vector<4xf32>
      %broadcast_in_dim3A_565 = vector.shape_cast %reduce_sum3A_564 : vector<4xf32> to vector<4x1xf32>
      %log3A = math.log %broadcast_in_dim3A_565 : vector<4x1xf32>
      %add3A_566 = arith.addf %broadcast_in_dim3A_561, %log3A : vector<4x1xf32>
      %sub3A_567 = vector.broadcast %add3A_566 : vector<4x1xf32> to vector<4x2000xf32>
      %sub3A_568 = arith.subf %add3A_559, %sub3A_567 : vector<4x2000xf32>
      %swap3A_569 = arith.constant 0 : index
      %swap3A_570 = arith.constant 0 : index
      %swap3A_571 = vector.load %arg13[%swap3A_569, %swap3A_570] : memref<4x2000xf32, #tpu.memory_space<vmem>>, vector<4x2000xf32>
      tpu.vector_store %arg13[%swap3A_569, %swap3A_570], %sub3A_568 {strides = array<i32>} : memref<4x2000xf32, #tpu.memory_space<vmem>>, vector<4x2000xf32>,
    } else {
    }
    %eq3A_4 = arith.constant 0 : i32
    %eq3A_5 = arith.cmpi eq, %arg0, %eq3A_4 : i32
    %convert_element_type3A_6 = arith.extui %eq3A_5 : i1 to i32
    %cond3A_7 = arith.constant 0 : i32
    %cond3A_8 = arith.cmpi ne, %convert_element_type3A_6, %cond3A_7 : i32
    scf.if %cond3A_8 {
      %get3A = arith.constant 0 : index
      %get3A_14 = arith.constant 0 : index
      %get3A_15 = vector.load %arg14[%get3A, %get3A_14] : memref<4x128xf32, #tpu.memory_space<vmem>>, vector<4x128xf32>
      %get3A_16 = arith.constant 0 : index
      %get3A_17 = arith.constant 0 : index
      %get3A_18 = vector.load %arg10[%get3A_16, %get3A_17] : memref<8192x128xf32, #tpu.memory_space<vmem>>, vector<8192x128xf32>
      %dot_general3A = arith.constant dense<0.000000e+00> : vector<4x8192xf32>
      %dot_general3A_19 = tpu.matmul %get3A_15, %get3A_18, %dot_general3A {dimension_numbers = #tpu.dot_dimension_numbers<[1], [1], [0], [0], [0, 0, 1, 0], [], []>, transpose_lhs_hint = false} : vector<4x128xf32>, vector<8192x128xf32>, vector<4x8192xf32> -> vector<4x8192xf32>
      %get3A_20 = arith.constant 0 : index
      %get3A_21 = arith.constant 0 : index
      %get3A_22 = vector.load %arg11[%get3A_20, %get3A_21] : memref<1x8192xf32, #tpu.memory_space<vmem>>, vector<1x8192xf32>
      %add3A = vector.broadcast %get3A_22 : vector<1x8192xf32> to vector<4x8192xf32>
      %add3A_23 = arith.addf %dot_general3A_19, %add3A : vector<4x8192xf32>
      %mul3A = arith.constant 8192 : i32
      %mul3A_24 = arith.muli %arg1, %mul3A : i32
      %iota3A = tpu.iota {dimensions = array<i32: 1>} : vector<4x8192xi32>
      %add3A_25 = vector.broadcast %mul3A_24 : i32 to vector<4x8192xi32>
      %add3A_26 = arith.addi %add3A_25, %iota3A : vector<4x8192xi32>
      %lt3A = arith.constant 50000 : i32
      %lt3A_27 = vector.broadcast %lt3A : i32 to vector<4x8192xi32>
      %lt3A_28 = arith.cmpi slt, %add3A_26, %lt3A_27 : vector<4x8192xi32>
      %jit3A = arith.constant 0xFF800000 : f32
      %broadcast_in_dim3A = vector.broadcast %jit3A : f32 to vector<4x8192xf32>
      %select_n3A = arith.select %lt3A_28, %add3A_23, %broadcast_in_dim3A : vector<4x8192xi1>, vector<4x8192xf32>
      %mul3A_29 = arith.constant 8192 : i32
      %mul3A_30 = arith.muli %arg1, %mul3A_29 : i32
      %swap3A = arith.constant 0 : index
      %swap3A_31 = arith.index_cast %mul3A_30 : i32 to index
      %swap3A_32 = vector.load %arg15[%swap3A, %swap3A_31] : memref<4x57344xf32, #tpu.memory_space<vmem>>, vector<4x8192xf32>
      tpu.vector_store %arg15[%swap3A, %swap3A_31], %select_n3A {strides = array<i32>} : memref<4x57344xf32, #tpu.memory_space<vmem>>, vector<4x8192xf32>,
      %reduce_max3A = arith.constant dense<0xFF800000> : vector<4xf32>
      %reduce_max3A_33 = vector.multi_reduction <maximumf>, %select_n3A, %reduce_max3A [1] : vector<4x8192xf32> to vector<4xf32>
      %broadcast_in_dim3A_34 = vector.shape_cast %reduce_max3A_33 : vector<4xf32> to vector<4x1xf32>
      %eq3A_35 = arith.constant 0 : i32
      %eq3A_36 = arith.cmpi eq, %arg1, %eq3A_35 : i32
      %convert_element_type3A_37 = arith.extui %eq3A_36 : i1 to i32
      %cond3A_38 = arith.constant 0 : i32
      %cond3A_39 = arith.cmpi ne, %convert_element_type3A_37, %cond3A_38 : i32
      scf.if %cond3A_39 {
        %swap3A_44 = arith.constant 0 : index
        %swap3A_45 = arith.constant 0 : index
        %swap3A_46 = vector.load %arg16[%swap3A_44, %swap3A_45] : memref<4x1xf32, #tpu.memory_space<vmem>>, vector<4x1xf32>
        tpu.vector_store %arg16[%swap3A_44, %swap3A_45], %broadcast_in_dim3A_34 {strides = array<i32>} : memref<4x1xf32, #tpu.memory_space<vmem>>, vector<4x1xf32>,
        %sub3A = vector.broadcast %broadcast_in_dim3A_34 : vector<4x1xf32> to vector<4x8192xf32>
        %sub3A_47 = arith.subf %select_n3A, %sub3A : vector<4x8192xf32>
        %exp3A = math.exp %sub3A_47 : vector<4x8192xf32>
        %reduce_sum3A = arith.constant dense<0.000000e+00> : vector<4xf32>
        %reduce_sum3A_48 = vector.multi_reduction <add>, %exp3A, %reduce_sum3A [1] : vector<4x8192xf32> to vector<4xf32>
        %broadcast_in_dim3A_49 = vector.shape_cast %reduce_sum3A_48 : vector<4xf32> to vector<4x1xf32>
        %swap3A_50 = arith.constant 0 : index
        %swap3A_51 = arith.constant 0 : index
        %swap3A_52 = vector.load %arg17[%swap3A_50, %swap3A_51] : memref<4x1xf32, #tpu.memory_space<vmem>>, vector<4x1xf32>
        tpu.vector_store %arg17[%swap3A_50, %swap3A_51], %broadcast_in_dim3A_49 {strides = array<i32>} : memref<4x1xf32, #tpu.memory_space<vmem>>, vector<4x1xf32>,
      } else {
      }
      %gt3A = arith.constant 0 : i32
      %gt3A_40 = arith.cmpi sgt, %arg1, %gt3A : i32
      %convert_element_type3A_41 = arith.extui %gt3A_40 : i1 to i32
      %cond3A_42 = arith.constant 0 : i32
      %cond3A_43 = arith.cmpi ne, %convert_element_type3A_41, %cond3A_42 : i32
      scf.if %cond3A_43 {
        %get3A_44 = arith.constant 0 : index
        %get3A_45 = arith.constant 0 : index
        %get3A_46 = vector.load %arg16[%get3A_44, %get3A_45] : memref<4x1xf32, #tpu.memory_space<vmem>>, vector<4x1xf32>
        %max3A = arith.maximumf %get3A_46, %broadcast_in_dim3A_34 : vector<4x1xf32>
        %get3A_47 = arith.constant 0 : index
        %get3A_48 = arith.constant 0 : index
        %get3A_49 = vector.load %arg17[%get3A_47, %get3A_48] : memref<4x1xf32, #tpu.memory_space<vmem>>, vector<4x1xf32>
        %sub3A = arith.subf %get3A_46, %max3A : vector<4x1xf32>
        %exp3A = math.exp %sub3A : vector<4x1xf32>
        %mul3A_50 = arith.mulf %get3A_49, %exp3A : vector<4x1xf32>
        %sub3A_51 = vector.broadcast %max3A : vector<4x1xf32> to vector<4x8192xf32>
        %sub3A_52 = arith.subf %select_n3A, %sub3A_51 : vector<4x8192xf32>
        %exp3A_53 = math.exp %sub3A_52 : vector<4x8192xf32>
        %reduce_sum3A = arith.constant dense<0.000000e+00> : vector<4xf32>
        %reduce_sum3A_54 = vector.multi_reduction <add>, %exp3A_53, %reduce_sum3A [1] : vector<4x8192xf32> to vector<4xf32>
        %broadcast_in_dim3A_55 = vector.shape_cast %reduce_sum3A_54 : vector<4xf32> to vector<4x1xf32>
        %add3A_56 = arith.addf %mul3A_50, %broadcast_in_dim3A_55 : vector<4x1xf32>
        %swap3A_57 = arith.constant 0 : index
        %swap3A_58 = arith.constant 0 : index
        %swap3A_59 = vector.load %arg17[%swap3A_57, %swap3A_58] : memref<4x1xf32, #tpu.memory_space<vmem>>, vector<4x1xf32>
        tpu.vector_store %arg17[%swap3A_57, %swap3A_58], %add3A_56 {strides = array<i32>} : memref<4x1xf32, #tpu.memory_space<vmem>>, vector<4x1xf32>,
        %swap3A_60 = arith.constant 0 : index
        %swap3A_61 = arith.constant 0 : index
        %swap3A_62 = vector.load %arg16[%swap3A_60, %swap3A_61] : memref<4x1xf32, #tpu.memory_space<vmem>>, vector<4x1xf32>
        tpu.vector_store %arg16[%swap3A_60, %swap3A_61], %max3A {strides = array<i32>} : memref<4x1xf32, #tpu.memory_space<vmem>>, vector<4x1xf32>,
      } else {
      }
    } else {
    }
    %eq3A_9 = arith.constant 1 : i32
    %eq3A_10 = arith.cmpi eq, %arg0, %eq3A_9 : i32
    %convert_element_type3A_11 = arith.extui %eq3A_10 : i1 to i32
    %cond3A_12 = arith.constant 0 : i32
    %cond3A_13 = arith.cmpi ne, %convert_element_type3A_11, %cond3A_12 : i32
    scf.if %cond3A_13 {
      %get3A = arith.constant 0 : index
      %get3A_14 = arith.constant 0 : index
      %get3A_15 = vector.load %arg16[%get3A, %get3A_14] : memref<4x1xf32, #tpu.memory_space<vmem>>, vector<4x1xf32>
      %get3A_16 = arith.constant 0 : index
      %get3A_17 = arith.constant 0 : index
      %get3A_18 = vector.load %arg17[%get3A_16, %get3A_17] : memref<4x1xf32, #tpu.memory_space<vmem>>, vector<4x1xf32>
      %log3A = math.log %get3A_18 : vector<4x1xf32>
      %add3A = arith.addf %get3A_15, %log3A : vector<4x1xf32>
      %mul3A = arith.constant 8192 : i32
      %mul3A_19 = arith.muli %arg1, %mul3A : i32
      %get3A_20 = arith.constant 0 : index
      %get3A_21 = arith.index_cast %mul3A_19 : i32 to index
      %get3A_22 = vector.load %arg15[%get3A_20, %get3A_21] : memref<4x57344xf32, #tpu.memory_space<vmem>>, vector<4x8192xf32>
      %sub3A = vector.broadcast %add3A : vector<4x1xf32> to vector<4x8192xf32>
      %sub3A_23 = arith.subf %get3A_22, %sub3A : vector<4x8192xf32>
      %swap3A = arith.constant 0 : index
      %swap3A_24 = arith.constant 0 : index
      %swap3A_25 = vector.load %arg12[%swap3A, %swap3A_24] : memref<4x8192xf32, #tpu.memory_space<vmem>>, vector<4x8192xf32>
      tpu.vector_store %arg12[%swap3A, %swap3A_24], %sub3A_23 {strides = array<i32>} : memref<4x8192xf32, #tpu.memory_space<vmem>>, vector<4x8192xf32>,
    } else {
    }
    return
  }
  func.func @transform_0(%arg0: i32, %arg1: i32) -> (i32, i32, i32, i32) {
    %c0_i32 = arith.constant 0 : i32
    %c0_i32_0 = arith.constant 0 : i32
    %c0_i32_1 = arith.constant 0 : i32
    %c0_i32_2 = arith.constant 0 : i32
    %c0_i32_3 = arith.constant 0 : i32
    return %c0_i32, %c0_i32_0, %c0_i32_1, %c0_i32_2 : i32, i32, i32, i32
  }
  func.func @transform_1(%arg0: i32, %arg1: i32) -> (i32, i32, i32) {
    %c0_i32 = arith.constant 0 : i32
    %c0_i32_0 = arith.constant 0 : i32
    %c0_i32_1 = arith.constant 0 : i32
    %c0_i32_2 = arith.constant 0 : i32
    return %c0_i32, %c0_i32_0, %c0_i32_1 : i32, i32, i32
  }
  func.func @transform_2(%arg0: i32, %arg1: i32) -> (i32, i32) {
    %c0_i32 = arith.constant 0 : i32
    %c0_i32_0 = arith.constant 0 : i32
    %c0_i32_1 = arith.constant 0 : i32
    return %c0_i32, %c0_i32_0 : i32, i32
  }
  func.func @transform_3(%arg0: i32, %arg1: i32) -> (i32, i32, i32) {
    %c0_i32 = arith.constant 0 : i32
    %c0_i32_0 = arith.constant 0 : i32
    %c0_i32_1 = arith.constant 0 : i32
    %c0_i32_2 = arith.constant 0 : i32
    return %c0_i32, %c0_i32_0, %c0_i32_1 : i32, i32, i32
  }
  func.func @transform_4(%arg0: i32, %arg1: i32) -> (i32, i32) {
    %c0_i32 = arith.constant 0 : i32
    %c0_i32_0 = arith.constant 0 : i32
    %c0_i32_1 = arith.constant 0 : i32
    return %c0_i32, %c0_i32_0 : i32, i32
  }
  func.func @transform_5(%arg0: i32, %arg1: i32) -> (i32, i32) {
    %c0_i32 = arith.constant 0 : i32
    %c0_i32_0 = arith.constant 0 : i32
    %c0_i32_1 = arith.constant 0 : i32
    return %c0_i32, %c0_i32_0 : i32, i32
  }
  func.func @transform_6(%arg0: i32, %arg1: i32) -> (i32, i32) {
    %c0_i32 = arith.constant 0 : i32
    %c0_i32_0 = arith.constant 0 : i32
    %c0_i32_1 = arith.constant 0 : i32
    return %c0_i32, %c0_i32_0 : i32, i32
  }
  func.func @transform_7(%arg0: i32, %arg1: i32) -> (i32, i32) {
    %c0_i32 = arith.constant 0 : i32
    %c0_i32_0 = arith.constant 0 : i32
    %c0_i32_1 = arith.constant 0 : i32
    return %c0_i32, %c0_i32_0 : i32, i32
  }
  func.func @transform_8(%arg0: i32, %arg1: i32) -> (i32, i32) {
    %sub3A = arith.constant 1 : i32
    %sub3A_0 = arith.subi %sub3A, %arg0 : i32
    %mul3A = arith.muli %arg1, %sub3A_0 : i32
    %c0_i32 = arith.constant 0 : i32
    %c0_i32_1 = arith.constant 0 : i32
    return %mul3A, %c0_i32 : i32, i32
  }
  func.func @transform_9(%arg0: i32, %arg1: i32) -> (i32, i32) {
    %sub3A = arith.constant 1 : i32
    %sub3A_0 = arith.subi %sub3A, %arg0 : i32
    %mul3A = arith.muli %arg1, %sub3A_0 : i32
    %c0_i32 = arith.constant 0 : i32
    %c0_i32_1 = arith.constant 0 : i32
    return %c0_i32, %mul3A : i32, i32
  }
  func.func @transform_10(%arg0: i32, %arg1: i32) -> (i32, i32) {
    %c0_i32 = arith.constant 0 : i32
    %c0_i32_0 = arith.constant 0 : i32
    return %c0_i32, %arg1 : i32, i32
  }
  func.func @transform_11(%arg0: i32, %arg1: i32) -> (i32, i32) {
    %c0_i32 = arith.constant 0 : i32
    %c0_i32_0 = arith.constant 0 : i32
    %c0_i32_1 = arith.constant 0 : i32
    return %c0_i32, %c0_i32_0 : i32, i32
  }
}

</mosaic_0001>

<sc_bundles>
// kernel: kernel.5.cloned.1.call-start
scs
__scs_entry_jumppad:
0x0: {  	(pc) =	sbr.rel $0x88, $3  }
0x1: {  	(tag) =	ssettag $0x0;
	lr =	simm.s32 $0x1  }
0x2: {  	[smem:$0x3F96] =	sst lr;
	_ =	strace $0xD0000000  }
0x3: {  	_ = 	snop  }
0x4: {  	_ = 	snop  }
0x5: {  	_ = 	snop  }
0x6: {  	_ = 	snop  }
0x7: {  	_ = 	snop  }
__scs_overlays_trampoline_lowered:
0x8: {  	[smem:$0x3FA5] =	sst s0  }
0x9: {  	[smem:$0x3FA6] =	sst s1  }
0xa: {  	[smem:$0x3FA7] =	sst s2  }
0xb: {  	[smem:$0x3FA8] =	sst s3  }
0xc: {  	[smem:$0x3FA9] =	sst s4  }
0xd: {  	[smem:$0x3FAA] =	sst s5  }
0xe: {  	[smem:$0x3FAB] =	sst s6  }
0xf: {  	[smem:$0x3FAC] =	sst s7  }
0x10: {  	[smem:$0x3FAD] =	sst s8  }
0x11: {  	[smem:$0x3FAE] =	sst s9;
	s0 =	simm.s32 @!p0 $0x0  }
0x12: {  	s1 =	sld [smem:$0x3F94];
	s0 =	simm.s32 @p0 $0x1  }
0x13: {  	[smem:$0x3FAF] =	sst s0;
	s0 =	simm.s32 @!p1 $0x0  }
0x14: {  	s2 =	sld [smem:$0x3F93];
	s0 =	simm.s32 @p1 $0x1  }
0x15: {  	[smem:$0x3FB0] =	sst s0;
	s0 =	simm.s32 @!p2 $0x0  }
0x16: {  	s3 =	sld [smem:$0x3FDB];
	s0 =	simm.s32 @p2 $0x1  }
0x17: {  	s4 =	simm.s32 $0x1BF5;
	[smem:$0x3FB2] =	sst s0  }
0x18: {  	s0 =	sld [smem:$0x3F95];
	_ =	swait.ge [sflag:s4], $0x0  }
0x19: {  	s7 =	sld [smem:$0x3F96]  }
0x1a: {  	s8 =	sadd.s32 $0xFFFFE003, lr  }
0x1b: {  	s9 =	sadd.s32 $0xFFFFFEF7, lr;
	s5 =	simm.s32 $0xFFFFFFFF;
	p2 =	slt.u32 s8, $0xFFFFF086  }
0x1c: {  	p1 =	slt.u32 s9, $0xF7A;
	s5 =	simm.s32 @!p2 $0x0  }
0x1d: {  	s5 =	simm.s32 @p1 $0x1;
	p0 =	seq.s32 s7, s2  }
0x1e: {  	s7 =	smul.u32 @!p0 $0xF7A, s2;
	p2 =	seq.s32 @!p0 s5, $0x0  }
0x1f: {  	s9 =	smul.u32 $0xF7A, s1;
	s8 =	simm.s32 @!p0 $0x1BF5;
	p2 =	por !p2, p0  }
0x20: {  	[sflag:s8] =	ssyncset.s32 @!p0 $0xFFFFF086;
	s6 =	sadd.s32 @!p0 s3, s7;
	s7 =	simm.s32 @!p0 $0x108  }
0x21: {  	s3 =	sadd.s32 s3, s9;
	s6 =	sadd.s32 @!p0 $0x88, s6;
	s7 =	simm.s32 @p2 $0x1082  }
0x22: {  	[simem:s7], [sflag:s8] =	dma.local @!p0 [hbm:s6], $0xF7A  }
0x23: {  	s9 =	sor.u32 $0xD0000000, s2;
	s6 =	simm.s32 $0x108;
	_ =	swait.ge @!p0 [sflag:s8], $0x0  }
0x24: {  	s3 =	sadd.s32 $0x88, s3;
	s6 =	simm.s32 @!p1 $0x1082;
	[sflag:s4] =	ssyncset.s32 $0xFFFFF086  }
0x25: {  	[simem:s6], [sflag:s4] =	dma.local [hbm:s3], $0xF7A  }
0x26: {  	[smem:$0x3F96] =	sst s1;
	(tag) =	ssettag s2;
	_ =	strace s9  }
0x27: {  	s1 =	sld [smem:$0x3FA6]  }
0x28: {  	s2 =	sld [smem:$0x3FA7]  }
0x29: {  	s4 =	sld [smem:$0x3FA9]  }
0x2a: {  	p0 =	seq.s32 s5, $0x0;
	s5 =	sld [smem:$0x3FAA]  }
0x2b: {  	s6 =	sld [smem:$0x3FAB]  }
0x2c: {  	s7 =	sld [smem:$0x3FAC]  }
0x2d: {  	s3 =	simm.s32 $0x108;
	s8 =	sld [smem:$0x3FAD]  }
0x2e: {  	s3 =	simm.s32 @!p0 $0x1082;
	s9 =	sld [smem:$0x3FAE]  }
0x2f: {  	lr =	sadd.s32 s0, s3;
	s0 =	sld [smem:$0x3FA5]  }
0x30: {  	s3 =	sld [smem:$0x3FA8]  }
0x31: {  	[smem:$0x3FB1] =	sst s10  }
0x32: {  	s10 =	sld [smem:$0x3FAF];
	_ =	sdelay $0x3  }
0x33: {  	p0 =	seq.s32 s10, $0x1;
	s10 =	sld [smem:$0x3FB1];
	_ =	sdelay $0x3  }
0x34: {  	[smem:$0x3FB1] =	sst s10  }
0x35: {  	s10 =	sld [smem:$0x3FB0];
	_ =	sdelay $0x3  }
0x36: {  	p1 =	seq.s32 s10, $0x1;
	s10 =	sld [smem:$0x3FB1];
	_ =	sdelay $0x3  }
0x37: {  	[smem:$0x3FB1] =	sst s10  }
0x38: {  	s10 =	sld [smem:$0x3FB2]  }
0x39: {  	_ = 	snop;
	(pc) =	sbr.ind lr, $3  }
0x3a: {  	_ = 	snop  }
0x3b: {  	_ = 	snop  }
0x3c: {  	p2 =	seq.s32 s10, $0x1;
	s10 =	sld [smem:$0x3FB1]  }
0x3d: {  	_ =	shalt  }
0x3e: {  	_ =	shalt  }
0x3f: {  	_ =	shalt  }
0x40: {  	_ =	shalt  }
0x41: {  	_ =	shalt  }
0x42: {  	_ =	shalt  }
0x43: {  	_ =	shalt  }
0x44: {  	_ =	shalt  }
0x45: {  	_ =	shalt  }
0x46: {  	_ =	shalt  }
0x47: {  	_ =	shalt  }
0x48: {  	_ =	shalt  }
0x49: {  	_ =	shalt  }
0x4a: {  	_ =	shalt  }
0x4b: {  	_ =	shalt  }
0x4c: {  	_ =	shalt  }
0x4d: {  	_ =	shalt  }
0x4e: {  	_ =	shalt  }
0x4f: {  	_ =	shalt  }
0x50: {  	_ =	shalt  }
0x51: {  	_ =	shalt  }
0x52: {  	_ =	shalt  }
0x53: {  	_ =	shalt  }
0x54: {  	_ =	shalt  }
0x55: {  	_ =	shalt  }
0x56: {  	_ =	shalt  }
0x57: {  	_ =	shalt  }
0x58: {  	_ =	shalt  }
0x59: {  	_ =	shalt  }
0x5a: {  	_ =	shalt  }
0x5b: {  	_ =	shalt  }
0x5c: {  	_ =	shalt  }
0x5d: {  	_ =	shalt  }
0x5e: {  	_ =	shalt  }
0x5f: {  	_ =	shalt  }
0x60: {  	_ =	shalt  }
0x61: {  	_ =	shalt  }
0x62: {  	_ =	shalt  }
0x63: {  	_ =	shalt  }
0x64: {  	_ =	shalt  }
0x65: {  	_ =	shalt  }
0x66: {  	_ =	shalt  }
0x67: {  	_ =	shalt  }
0x68: {  	_ =	shalt  }
0x69: {  	_ =	shalt  }
0x6a: {  	_ =	shalt  }
0x6b: {  	_ =	shalt  }
0x6c: {  	_ =	shalt  }
0x6d: {  	_ =	shalt  }
0x6e: {  	_ =	shalt  }
0x6f: {  	_ =	shalt  }
0x70: {  	_ =	shalt  }
0x71: {  	_ =	shalt  }
0x72: {  	_ =	shalt  }
0x73: {  	_ =	shalt  }
0x74: {  	_ =	shalt  }
0x75: {  	_ =	shalt  }
0x76: {  	_ =	shalt  }
0x77: {  	_ =	shalt  }
0x78: {  	_ =	shalt  }
0x79: {  	_ =	shalt  }
0x7a: {  	_ =	shalt  }
0x7b: {  	_ =	shalt  }
0x7c: {  	_ =	shalt  }
0x7d: {  	_ =	shalt  }
0x7e: {  	_ =	shalt  }
0x7f: {  	_ =	shalt  }
0x80: {  	_ =	shalt  }
0x81: {  	_ =	shalt  }
0x82: {  	_ =	shalt  }
0x83: {  	_ =	shalt  }
0x84: {  	_ =	shalt  }
0x85: {  	_ =	shalt  }
0x86: {  	_ =	shalt  }
0x87: {  	_ =	shalt  }
.Lfunc_end0:
.L_simem_size_0:
called_computation_lowered:
.L_overlay_start_0:
0x88: {  	s0 =	sld [smem:$0x3FD9]  }
0x89: {  	s1 =	sld [smem:$0x3FFE];
	_ =	sdelay $0x3  }
0x8a: {  	s0 =	sadd.s32 s1, s0  }
0x8b: {  	[smem:$0x3FBD] =	sst s0  }
0x8c: {  	_ = 	snop  }
0x8d: {  	s0 =	sld [smem:$0x3FD0];
	_ =	sdelay $0x1  }
0x8e: {  	s14 =	sld [smem:$0x3FC8]  }
0x8f: {  	s3 =	simm.s32 $0xA;
	s4 =	simm.s32 $0x10;
	s2 =	sld [smem:$0x3FC7]  }
0x90: {  	[smem:s4], [sflag:s3] =	dma.local [hbm:s0], $0x1  }
0x91: {  	_ =	swait.eq [sflag:s3], $0x1  }
0x92: {  	[sflag:s3] =	ssyncset.done $0x0  }
0x93: {  	[sflag:s3] =	ssyncadd.s32 $0xFFFFFFFF  }
0x94: {  	s15 =	sld [smem:$0x10];
	(tm) =	ssettm $0x1  }
0x95: {  	s16 =	sld [smem:$0x3FFB];
	_ =	sdelay $0x3  }
0x96: {  	_ =	strace s16  }
0x97: {  	s3 =	sld [smem:$0x3FFC];
	_ =	sdelay $0x3  }
0x98: {  	_ =	strace s3  }
0x99: {  	s3 =	sld [smem:$0x3FFD];
	_ =	sdelay $0x3  }
0x9a: {  	_ =	strace s3  }
0x9b: {  	_ =	strace $0x8FFFFFFF  }
0x9c: {  	s17 =	sld [smem:$0x3FDB];
	_ =	sdelay $0x1  }
0x9d: {  	s18 =	simm.s32 $_scs_section_size  }
0x9e: {  	s5 =	simm.s32 $_size__tile_overlayer_lowered;
	s6 =	simm.s32 $_tile_overlayer_lowered  }
0x9f: {  	s21 =	simm.s32 $0x1BFF;
	s20 =	sshll.u32 s6, $0x1;
	s3 =	sadd.s32 s18, s17  }
0xa0: {  	s7 =	simm.s32 $0x0;
	s19 =	sshll.u32 s5, $0x1;
	s5 =	sadd.s32 s20, s3  }
0xa1: {  	[timem:s7], [sflag:s21] =	dma.local [hbm:s5], s19  }
0xa2: {  	_ =	swait.ge [sflag:s21], s19  }
0xa3: {  	s4 =	ssub.s32 $0x0, s19;
	[sflag:s21] =	ssyncset.done $0x0  }
0xa4: {  	[sflag:s21] =	ssyncadd.s32 s4;
	_ =	sdelay $0x1  }
0xa5: {  	s22 =	simm.s32 $0x1B8B  }
0xa6: {  	_ =	swait.ge [sflag:s22], $0x1  }
0xa7: {  	[sflag:s22] =	ssyncset.done $0x0  }
0xa8: {  	s23 =	simm.s32 $0x1B8E;
	[sflag:s22] =	ssyncadd.s32 $0xFFFFFFFF  }
0xa9: {  	s24 =	simm.s32 $execute0_lowered;
	[smem:$0x3FD2] =	sst s23  }
0xaa: {  	s4 =	sshll.u32 s24, $0x1;
	_ =	strace $0x80000046;
	[dreg:$0x1] =	wrdreg $0xFFFFFFFF  }
0xab: {  	s25 =	simm.s32 $_size_execute0_lowered;
	s3 =	sadd.s32 s3, s4;
	[dreg:$0x0] =	wrdreg $0x0  }
0xac: {  	s4 =	sshll.u32 s25, $0x1;
	[dreg:$0x2] =	wrdreg s3  }
0xad: {  	[dreg:$0x3] =	wrdreg s4  }
0xae: {  	[dreg:$0x4] =	wrdreg $0xC0  }
0xaf: {  	_ =	task [dreg:s7], $0x5FFFF  }
0xb0: {  	[dreg:$0x1] =	wrdreg $0xFFFFFFFF  }
0xb1: {  	[dreg:$0x0] =	wrdreg $0x60  }
0xb2: {  	[dreg:$0x2] =	wrdreg s14  }
0xb3: {  	[dreg:$0x3] =	wrdreg s2  }
0xb4: {  	[dreg:$0x4] =	wrdreg s15  }
0xb5: {  	[dreg:$0x5] =	wrdreg $0x9  }
0xb6: {  	_ =	task.clear_ibuf [dreg:s7], $0x6FFFF;
	_ =	strace $0x90000046  }
0xb7: {  	s26 =	simm.s32 $0x9;
	_ =	strace $0x80000048  }
0xb8: {  	_ =	swait.ge [sflag:s26], $0x1  }
0xb9: {  	[sflag:s26] =	ssyncadd.s32 $0xFFFFFFFF  }
0xba: {  	_ =	strace $0x90000048  }
0xbb: {  	_ =	sfence  }
0xbc: {  	s28 =	sld [smem:$0x0];
	_ =	sdelay $0x1  }
0xbd: {  	s29 =	srdreg.scid  }
0xbe: {  	s30 =	sshll.u32 s29, $0xD;
	s31 =	sshrl.u32 s29, $0x2  }
0xbf: {  	s1 =	sand.u32 $0x1, s29;
	s2 =	sand.u32 $0x4000, s30;
	s0 =	sadd.s32 s31, s28  }
0xc0: {  	s1 =	sor.u32 s2, s1;
	s0 =	sshll.u32 s0, $0x11  }
0xc1: {  	s0 =	sor.u32 s0, s1  }
0xc2: {  	s0 =	sadd.s32 $0x8F2B, s0  }
0xc3: {  	[sflag:s0] =	ssyncadd.remote.s32 $0x1  }
0xc4: {  	_ =	sfence.sel $0xFFFF  }
0xc5: {  	[dreg:$0x0] =	wrdreg $0xFFFFFFFF;
	(pc) =	sbr.abs _section_cstart, $3  }
0xc6: {  	[dreg:$0x1] =	wrdreg $0xFFFFFFFF  }
0xc7: {  	_ =	task.clear_ibuf [dreg:s7], $0x2FFFF;
	_ =	strace $0x9FFFFFFF  }
0xc8: {  	(tm) =	ssettm $0x7FFFFFFF  }
0xc9: {  	_ =	shalt  }
tec
execute0_lowered:
.L_overlay_start_1:
0x0: {  	(tag) =	ssettag $0x1  }
0x1: {  	s4 =	rddreg [dreg:$0x0]  }
0x2: {  	s5 =	rddreg [dreg:$0x1]  }
0x3: {  	s2 =	rddreg [dreg:$0x2]  }
0x4: {  	s0 =	rddreg [dreg:$0x3];
	s1 =	stileid.u32;
	s6 =	simm.s32 $0x0  }
0x5: {  	s25 =	simm.s32 $0x80;
	s3 =	sshrl.u32 s1, $0x2;
	s7 =	sand.u32 $0x3, s1  }
0x6: {  	s26 =	simm.s32 $0x100;
	s8 =	sshll.u32 s3, $0xD;
	s9 =	sshll.u32 s7, $0xB  }
0x7: {  	s29 =	simm.s32 $0x2000;
	[smem:$0x7FF] =	sst s6;
	s8 =	sor.u32 s9, s8  }
0x8: {  	_ =	strace $0x80000047;
	s10 =	sshll.u32 s3, $0x4;
	s4 =	sadd.s32 s4, s8  }
0x9: {  	[tilespmem:s6], [sflag:$0x1] =	stream.strided.gather [hbm4b:s4+s25], $0x2000, s26, s25, $0x38;
	[tilespmem:$0xF000] =	vst v63  }
0xa: {  	s5 =	sadd.s32 s5, s10;
	s28 =	sadd.s32 $0x10, s4;
	s4 =	sshll.u32 s7, $0xC  }
0xb: {  	[tilespmem:s29], [sflag:$0x1] =	stream.strided.gather [hbm4b:s28+s25], $0x2000, s26, s25, $0x38;
	[tilespmem:$0xF000] =	vst v63  }
0xc: {  	s30 =	simm.s32 $0x200;
	s31 =	simm.s32 $0x4000;
	s5 =	sadd.s32 s4, s5  }
0xd: {  	[tilespmem:s31], [sflag:$0x1] =	stream.strided.gather [hbm4b:s5+s25], $0x2000, s30, s25, $0x38;
	[tilespmem:$0xF000] =	vst v63  }
0xe: {  	v0 =	vimm.s32 $0x0;
	s6 =	simm.s32 $0x100;
	s5 =	simm.s32 $0x0  }
.LBB2_1:
0xf: {  	p0 =	sne.s32 s6, $0xFF00;
	[tilespmem:s5+$0xA030] =	vst v0  }
0x10: {  	[tilespmem:s5+$0x6000] =	vst v0  }
0x11: {  	[tilespmem:s5+$0xA000] =	vst v0  }
.Ltmp0:
0x12: {  	[tilespmem:s5+$0x6010] =	vst v0;
	(pc) =	sbr.rel @p0 .LBB2_1-.Ltmp0, $4  }
0x13: {  	[tilespmem:s5+$0xA010] =	vst v0  }
0x14: {  	[tilespmem:s5+$0x6020] =	vst v0  }
0x15: {  	[tilespmem:s5+$0xA020] =	vst v0  }
0x16: {  	[tilespmem:s5+$0x6030] =	vst v0;
	s5 =	sshra.s32 s6, $0x2;
	s6 =	sadd.s32 $0x100, s6  }
0x17: {  	[tilespmem:s5+$0xA030] =	vst v0  }
0x18: {  	[tilespmem:s5+$0x6000] =	vst v0  }
0x19: {  	[tilespmem:s5+$0xA000] =	vst v0  }
0x1a: {  	[tilespmem:s5+$0x6010] =	vst v0  }
0x1b: {  	[tilespmem:s5+$0xA010] =	vst v0  }
0x1c: {  	[tilespmem:s5+$0x6020] =	vst v0  }
0x1d: {  	[tilespmem:s5+$0xA020] =	vst v0  }
0x1e: {  	[tilespmem:s5+$0x6030] =	vst v0;
	s31 =	simm.s32 $0x1  }
0x1f: {  	_ =	swait.ge [sflag:s31], $0x2000  }
0x20: {  	[sflag:s31] =	ssyncset.done $0x0  }
0x21: {  	[sflag:s31] =	ssyncadd.s32 $0xFFFFE000  }
0x22: {  	_ =	swait.ge [sflag:s31], $0x2000  }
0x23: {  	[sflag:s31] =	ssyncset.done $0x0  }
0x24: {  	[sflag:s31] =	ssyncadd.s32 $0xFFFFE000  }
0x25: {  	_ =	swait.ge [sflag:s31], $0x2000  }
0x26: {  	v0 =	vlaneseq.u32;
	[sflag:s31] =	ssyncset.done $0x0  }
0x27: {  	s8 =	simm.s32 $0x0;
	v0 =	vand.u32 $0x7, v0;
	[sflag:s31] =	ssyncadd.s32 $0xFFFFE000  }
0x28: {  	vm1 =	vmmov $0xff;
	s5 =	simm.s32 $0x6000;
	vm0 =	vcmask $0x3F20;
	s6 =	simm.s32 $0xA000;
	s7 =	simm.s32 $0x40;
	v0 =	vmul.u32 $0x800, v0;
	v1 =	vld [tilespmem:s8+$0x2000]  }
.LBB2_3:
0x29: {  	p0 =	sne.s32 s7, $0x7FC0;
	v2 =	vld [tilespmem:s8+$0x0]  }
0x2a: {  	v3 =	vld [tilespmem:s8+$0x4000];
	_ =	sdelay $0x2  }
0x2b: {  	v4 =	vadd.s32 v0, v1;
	vm2 =	veq.s32 v1, $0x0  }
0x2c: {  	vm3 =	vmand vm2, vm1  }
0x2d: {  	v2 =	vadd.s32 v0, v2;
	vm2 =	vmand vm2, vm0;
	v1 =	vmul.u32 $0xFFFF, v3;
	_ =	sdelay $0x1  }
0x2e: {  	v1 =	vadd.s32 $0x1, v1  }
.Ltmp1:
0x2f: {  	[tilespmem:v4+s5+$0x0] =	vst.idx.add.s32.msk $0xff, v1;
	(pc) =	sbr.rel @p0 .LBB2_3-.Ltmp1, $4  }
0x30: {  	[tilespmem:v4+s5+$0x0] =	vst.idx.add.s32.msk vm0, v1  }
0x31: {  	[tilespmem:v2+s6+$0x0] =	vst.idx.add.s32.msk vm3, v1  }
0x32: {  	s8 =	sshra.s32 s7, $0x2;
	[tilespmem:v2+s6+$0x0] =	vst.idx.add.s32.msk vm2, v1  }
0x33: {  	s7 =	sadd.s32 $0x40, s7;
	v1 =	vld [tilespmem:s8+$0x2000]  }
0x34: {  	v2 =	vld [tilespmem:s8+$0x0]  }
0x35: {  	v3 =	vld [tilespmem:s8+$0x4000];
	_ =	sdelay $0x2  }
0x36: {  	v4 =	vadd.s32 v0, v1;
	vm2 =	veq.s32 v1, $0x0  }
0x37: {  	vm1 =	vmand vm2, vm1  }
0x38: {  	v1 =	vmul.u32 $0xFFFF, v3;
	v0 =	vadd.s32 v0, v2;
	vm2 =	vmand vm2, vm0;
	_ =	sdelay $0x1  }
0x39: {  	v1 =	vadd.s32 $0x1, v1  }
0x3a: {  	[tilespmem:v4+s5+$0x0] =	vst.idx.add.s32.msk $0xff, v1  }
0x3b: {  	[tilespmem:v4+s5+$0x0] =	vst.idx.add.s32.msk vm0, v1  }
0x3c: {  	[tilespmem:v0+s6+$0x0] =	vst.idx.add.s32.msk vm1, v1  }
0x3d: {  	s5 =	simm.s32 $0xC000;
	[tilespmem:v0+s6+$0x0] =	vst.idx.add.s32.msk vm2, v1  }
0x3e: {  	s6 =	simm.s32 $0x8000;
	v0 =	vld [tilespmem:s5+$0xFFFFE000]  }
0x3f: {  	v1 =	vld [tilespmem:s6+$0xFFFFE800]  }
0x40: {  	v2 =	vld [tilespmem:s5+$0x1800]  }
0x41: {  	v3 =	vld [tilespmem:s5+$0x1000]  }
0x42: {  	v4 =	vld [tilespmem:s5+$0x800]  }
0x43: {  	v5 =	vld [tilespmem:s5+$0x0]  }
0x44: {  	v6 =	vld [tilespmem:s5+$0xFFFFF800]  }
0x45: {  	v7 =	vld [tilespmem:s5+$0xFFFFF000]  }
0x46: {  	v8 =	vld [tilespmem:s5+$0xFFFFE800]  }
0x47: {  	v9 =	vld [tilespmem:s6+$0xFFFFE000]  }
0x48: {  	v10 =	vld [tilespmem:s6+$0xFFFFF000]  }
0x49: {  	v11 =	vld [tilespmem:s6+$0xFFFFF800]  }
0x4a: {  	v12 =	vld [tilespmem:s6+$0x0]  }
0x4b: {  	v61 =	vld [tilespmem:s6+$0x800];
	v0 =	vadd.s32 v0, v8  }
0x4c: {  	v62 =	vld [tilespmem:s6+$0x1000];
	v1 =	vadd.s32 v9, v1;
	v0 =	vadd.s32 v7, v0  }
0x4d: {  	v63 =	vld [tilespmem:s6+$0x1800];
	v1 =	vadd.s32 v10, v1;
	v0 =	vadd.s32 v6, v0  }
0x4e: {  	v1 =	vadd.s32 v11, v1;
	v0 =	vadd.s32 v5, v0  }
0x4f: {  	s7 =	simm.s32 $0x0;
	v1 =	vadd.s32 v12, v1;
	v0 =	vadd.s32 v4, v0  }
0x50: {  	s31 =	sand.u32 $0x70, s7;
	s9 =	sand.u32 $0xF00, s7;
	v1 =	vadd.s32 v61, v1;
	v0 =	vadd.s32 v3, v0  }
0x51: {  	s9 =	sor.u32 s31, s9;
	v1 =	vadd.s32 v62, v1;
	v2 =	vadd.s32 v2, v0  }
0x52: {  	s8 =	simm.s32 $0x10;
	v0 =	vadd.s32 v63, v1;
	[tilespmem:s9+$0xE080] =	vst v2  }
.LBB2_5:
0x53: {  	[tilespmem:s9+$0xE000] =	vst v0;
	s7 =	sadd.s32 $0x20, s7;
	s6 =	sadd.s32 $0x10, s6;
	s5 =	sadd.s32 $0x10, s5  }
0x54: {  	p0 =	sne.s32 s8, $0x7F0;
	s9 =	smov.u32 s8;
	s8 =	sadd.s32 $0x10, s8;
	v0 =	vld [tilespmem:s5+$0xFFFFE000]  }
0x55: {  	v1 =	vld [tilespmem:s6+$0xFFFFE800]  }
0x56: {  	v2 =	vld [tilespmem:s5+$0x1800]  }
0x57: {  	v3 =	vld [tilespmem:s5+$0x1000]  }
0x58: {  	v4 =	vld [tilespmem:s5+$0x800]  }
0x59: {  	v5 =	vld [tilespmem:s5+$0x0]  }
0x5a: {  	v6 =	vld [tilespmem:s5+$0xFFFFF800]  }
0x5b: {  	v7 =	vld [tilespmem:s5+$0xFFFFF000]  }
0x5c: {  	v8 =	vld [tilespmem:s5+$0xFFFFE800]  }
0x5d: {  	v9 =	vld [tilespmem:s6+$0xFFFFE000]  }
0x5e: {  	v10 =	vld [tilespmem:s6+$0xFFFFF000]  }
0x5f: {  	v11 =	vld [tilespmem:s6+$0xFFFFF800]  }
0x60: {  	v12 =	vld [tilespmem:s6+$0x0]  }
0x61: {  	v0 =	vadd.s32 v0, v8;
	v8 =	vld [tilespmem:s6+$0x800]  }
0x62: {  	v1 =	vadd.s32 v9, v1;
	v0 =	vadd.s32 v7, v0;
	v7 =	vld [tilespmem:s6+$0x1000]  }
0x63: {  	v1 =	vadd.s32 v10, v1;
	v0 =	vadd.s32 v6, v0;
	v6 =	vld [tilespmem:s6+$0x1800]  }
.Ltmp2:
0x64: {  	v1 =	vadd.s32 v11, v1;
	v0 =	vadd.s32 v5, v0;
	(pc) =	sbr.rel @p0 .LBB2_5-.Ltmp2, $4  }
0x65: {  	v1 =	vadd.s32 v12, v1;
	v0 =	vadd.s32 v4, v0  }
0x66: {  	s9 =	sand.u32 $0x70, s9;
	s10 =	sand.u32 $0xF00, s7;
	v1 =	vadd.s32 v8, v1;
	v0 =	vadd.s32 v3, v0  }
0x67: {  	s9 =	sor.u32 s9, s10;
	v1 =	vadd.s32 v7, v1;
	v2 =	vadd.s32 v2, v0  }
0x68: {  	v0 =	vadd.s32 v6, v1;
	[tilespmem:s9+$0xE080] =	vst v2  }
0x69: {  	s3 =	sshll.u32 s3, $0xE  }
0x6a: {  	s3 =	sor.u32 s4, s3  }
0x6b: {  	s29 =	simm.s32 $0x0;
	s3 =	sshrl.u32 s3, $0x3  }
0x6c: {  	[tilespmem:s9+$0xE000] =	vst v0;
	s30 =	simm.s32 $0xE000;
	s31 =	simm.s32 $0x2;
	s2 =	sadd.s32 s2, s3  }
0x6d: {  	[hbm4b:s2+s29] =	stream.linear.scatter [tilespmem:s30], [sflag:$0x2], $0x1000, $0x38;
	[tilespmem:$0xF000] =	vst v63  }
0x6e: {  	_ =	swait.ge [sflag:s31], $0x1000  }
0x6f: {  	[sflag:s31] =	ssyncset.done $0x0  }
0x70: {  	[sflag:s31] =	ssyncadd.s32 $0xFFFFF000  }
0x71: {  	_ =	sfence.sel $0x180000  }
0x72: {  	[bflag:$0x0] =	sbarrier.arrive $0xFFFF  }
0x73: {  	p0 =	sne.s32 s1, $0x0;
	_ =	strace $0x90000047  }
0x74: {  	s0 =	sadd.s32 @!p0 $0x100000, s0;
	[bflag:$0x2] =	sbarrier.arrive $0xFFFF  }
0x75: {  	[sflag:s0] =	ssyncadd.tile.s32 @!p0 $0x1;
	_ =	shalt  }
.Lfunc_end2:
_tile_overlayer_lowered:
.L_overlay_start_2:
0x76: {  	(tag) =	ssettag $0x2  }
0x77: {  	s0 =	rddreg [dreg:$0x0];
	s2 =	stileid.u32  }
0x78: {  	s1 =	rddreg [dreg:$0x1];
	p0 =	sne.s32 s2, $0x0  }
0x79: {  	s3 =	rddreg [dreg:$0x2];
	[bflag:$0x3] =	sbarrier.arrive $0xFFFF;
	s2 =	simm.s32 @!p0 $0x1C02  }
0x7a: {  	[timem:s3], [sflag:s2] =	dma.local @!p0 [hbm:s0], s1  }
0x7b: {  	s0 =	simm.s32 @!p0 $0x2  }
0x7c: {  	_ =	swait.ge @!p0 [sflag:s0], s1  }
0x7d: {  	s1 =	ssub.s32 @!p0 $0x0, s1;
	[sflag:s0] =	ssyncset.done @!p0 $0x0  }
0x7e: {  	[sflag:s0] =	ssyncadd.s32 @!p0 s1  }
0x7f: {  	[bflag:$0x3] =	sbarrier.arrive $0xFFFF  }
0x80: {  	_ =	shalt  }

</sc_bundles>
